<compile_context>
chip_gen: v7x
topology: tpu7x:2x2x1
jax: 0.10.2.dev20260603
libtpu: 0.0.44.dev20260713+nightly
codegen_flags: <defaults>
</compile_context>

<pallas_src>
import dataclasses
import functools

import jax
import jax.numpy as jnp
from jax import lax
from jax.experimental import pallas as pl
from jax.experimental.pallas import tpu as pltpu
from jax.experimental.pallas import tpu_sc as plsc

_CH = 32


def _knn_body(xyz1_ref, xyz2_ref, gidx_ref, w_ref, *, S, boff):
    q = xyz1_ref[0]
    k = xyz2_ref[0]
    TN = q.shape[0]
    qk = jax.lax.dot_general(-2.0 * q, k, (((1,), (1,)), ((), ())),
                             preferred_element_type=jnp.float32)
    qn = jnp.sum(q * q, axis=1, keepdims=True)
    kn = jnp.sum(k * k, axis=1, keepdims=True)
    d = qk + qn + kn.reshape(1, S)
    iota = jax.lax.broadcasted_iota(jnp.int32, (TN, S), 1)
    sels, vals = [], []
    dd = d
    for _ in range(3):
        m = jnp.min(dd, axis=1, keepdims=True)
        eq = dd == m
        sel = jnp.min(jnp.where(eq, iota, S), axis=1, keepdims=True)
        sels.append(sel)
        vals.append(m)
        dd = jnp.where(eq, jnp.float32(jnp.inf), dd)
    gidx_ref[0] = (jnp.concatenate(sels, axis=1)
                   + (pl.program_id(0) + boff) * S)
    r = [1.0 / (v + 1e-8) for v in vals]
    inv = 1.0 / (r[0] + r[1] + r[2])
    w_ref[0] = jnp.concatenate([r[0] * inv, r[1] * inv, r[2] * inv], axis=1)


def _sc_interp(p2flat, gidx_flat, w_flat):
    BS, C2 = p2flat.shape
    BN = gidx_flat.shape[0] // 3
    NW = 32
    per_w = BN // NW
    mesh = plsc.VectorSubcoreMesh(core_axis_name="c", subcore_axis_name="s")
    cp = pltpu.CompilerParams()
    if "needs_layout_passes" in pltpu.CompilerParams.__dataclass_fields__:
        cp = dataclasses.replace(cp, needs_layout_passes=False)

    @functools.partial(
        pl.kernel, mesh=mesh, compiler_params=cp,
        out_type=jax.ShapeDtypeStruct((BN, C2), jnp.float32),
        scratch_types=[
            pltpu.VMEM((_CH * 3,), jnp.int32),
            pltpu.VMEM((_CH * 3, C2), jnp.float32),
            pltpu.VMEM((_CH, C2), jnp.float32),
            pltpu.VMEM((_CH * 3,), jnp.float32),
            pltpu.SemaphoreType.DMA,
        ],
    )
    def k(p2_hbm, gidx_hbm, w_hbm, out_hbm, idx_v, rows_v, out_v, w_v, sem):
        wid = lax.axis_index("s") * 2 + lax.axis_index("c")
        base = wid * per_w

        @pl.loop(0, per_w, step=_CH)
        def _(q0):
            start = (base + q0) * 3
            pltpu.sync_copy(gidx_hbm.at[pl.ds(start, _CH * 3)], idx_v)
            pltpu.sync_copy(w_hbm.at[pl.ds(start, _CH * 3)], w_v)
            pltpu.async_copy(p2_hbm.at[idx_v], rows_v, sem).wait()

            @pl.loop(0, _CH)
            def _(qq):
                w0 = plsc.load_gather(w_v, [jnp.full((16,), 3 * qq, jnp.int32)])
                w1 = plsc.load_gather(w_v, [jnp.full((16,), 3 * qq + 1, jnp.int32)])
                w2 = plsc.load_gather(w_v, [jnp.full((16,), 3 * qq + 2, jnp.int32)])

                @pl.loop(0, C2, step=16)
                def _(c):
                    sl = pl.ds(c, 16)
                    out_v[qq, sl] = (w0 * rows_v[3 * qq, sl]
                                     + w1 * rows_v[3 * qq + 1, sl]
                                     + w2 * rows_v[3 * qq + 2, sl])

            pltpu.sync_copy(out_v, out_hbm.at[pl.ds(base + q0, _CH)])

    return k(p2flat, gidx_flat, w_flat)


def _mlp1_body(p1_ref, it_ref, w1_ref, y1_ref, st_ref):
    p1 = p1_ref[0]
    it = it_ref[0]
    C1 = p1.shape[0]
    y = (jnp.dot(w1_ref[:, :C1], p1, preferred_element_type=jnp.float32)
         + jax.lax.dot_general(w1_ref[:, C1:], it, (((1,), (1,)), ((), ())),
                               preferred_element_type=jnp.float32))
    y1_ref[0] = y
    s = jnp.sum(y, axis=1)
    sq = jnp.sum(y * y, axis=1)
    new = jnp.concatenate([s[None, :], sq[None, :]], axis=0)
    first = jnp.logical_and(pl.program_id(0) == 0, pl.program_id(1) == 0)

    @pl.when(first)
    def _():
        st_ref[...] = new

    @pl.when(jnp.logical_not(first))
    def _():
        st_ref[...] = st_ref[...] + new


def _stage2_body(y1_ref, sta_ref, stb_ref, g1_ref, be1_ref, w2_ref,
                 y2_ref, st2_ref, *, NB):
    st0 = sta_ref[0, :] + stb_ref[0, :]
    st1 = sta_ref[1, :] + stb_ref[1, :]
    mean = st0 * (1.0 / NB)
    var = st1 * (1.0 / NB) - mean * mean
    scale = g1_ref[0, :] * jax.lax.rsqrt(var + 1e-5)
    shift = be1_ref[0, :] - mean * scale
    z = jnp.maximum(y1_ref[0] * scale[:, None] + shift[:, None], 0.0)
    y2 = jnp.dot(w2_ref[...], z, preferred_element_type=jnp.float32)
    y2_ref[0] = y2
    s = jnp.sum(y2, axis=1)
    sq = jnp.sum(y2 * y2, axis=1)
    new = jnp.concatenate([s[None, :], sq[None, :]], axis=0)
    first = jnp.logical_and(pl.program_id(0) == 0, pl.program_id(1) == 0)

    @pl.when(first)
    def _():
        st2_ref[...] = new

    @pl.when(jnp.logical_not(first))
    def _():
        st2_ref[...] = st2_ref[...] + new


def _stage3_body(y2_ref, sta_ref, stb_ref, g2_ref, be2_ref, o_ref, *, NB):
    st0 = sta_ref[0, :] + stb_ref[0, :]
    st1 = sta_ref[1, :] + stb_ref[1, :]
    mean = st0 * (1.0 / NB)
    var = st1 * (1.0 / NB) - mean * mean
    scale = g2_ref[0, :] * jax.lax.rsqrt(var + 1e-5)
    shift = be2_ref[0, :] - mean * scale
    o_ref[0] = jnp.maximum(y2_ref[0] * scale[:, None] + shift[:, None], 0.0)


@jax.jit
def kernel(xyz1, xyz2, points1, points2, W1, b1, g1, be1, W2, b2, g2, be2):
    B, N, _ = xyz1.shape
    S = xyz2.shape[1]
    C1 = points1.shape[1]
    C2 = points2.shape[1]
    H1 = W1.shape[0]
    H2 = W2.shape[0]
    NB = B * N
    TN = 512
    G = 2
    BG = B // G

    xyz1p = jnp.pad(xyz1, ((0, 0), (0, 0), (0, 5)))
    xyz2p = jnp.pad(xyz2, ((0, 0), (0, 0), (0, 5)))
    p2flat = points2.transpose(0, 2, 1).reshape(B * S, C2)

    def knn_group(g):
        return pl.pallas_call(
            functools.partial(_knn_body, S=S, boff=g * BG),
            grid=(BG, N // TN),
            in_specs=[
                pl.BlockSpec((1, TN, 8), lambda b, n: (b, n, 0)),
                pl.BlockSpec((1, S, 8), lambda b, n: (b, 0, 0)),
            ],
            out_specs=[
                pl.BlockSpec((1, TN, 3), lambda b, n: (b, n, 0)),
                pl.BlockSpec((1, TN, 3), lambda b, n: (b, n, 0)),
            ],
            out_shape=[
                jax.ShapeDtypeStruct((BG, N, 3), jnp.int32),
                jax.ShapeDtypeStruct((BG, N, 3), jnp.float32),
            ],
        )(xyz1p[g * BG:(g + 1) * BG], xyz2p[g * BG:(g + 1) * BG])

    def mlp1_group(g, interp_g):
        return pl.pallas_call(
            _mlp1_body,
            grid=(BG, N // TN),
            in_specs=[
                pl.BlockSpec((1, C1, TN), lambda b, n: (b, 0, n)),
                pl.BlockSpec((1, TN, C2), lambda b, n: (b, n, 0)),
                pl.BlockSpec((H1, C1 + C2), lambda b, n: (0, 0)),
            ],
            out_specs=[
                pl.BlockSpec((1, H1, TN), lambda b, n: (b, 0, n)),
                pl.BlockSpec((2, H1), lambda b, n: (0, 0)),
            ],
            out_shape=[
                jax.ShapeDtypeStruct((BG, H1, N), jnp.float32),
                jax.ShapeDtypeStruct((2, H1), jnp.float32),
            ],
        )(points1[g * BG:(g + 1) * BG], interp_g.reshape(BG, N, C2), W1)

    y1s, st1s = [], []
    for g in range(G):
        gidx_g, w_g = knn_group(g)
        interp_g = _sc_interp(p2flat, gidx_g.reshape(BG * N * 3),
                              w_g.reshape(BG * N * 3))
        y1_g, st1_g = mlp1_group(g, interp_g)
        y1s.append(y1_g)
        st1s.append(st1_g)

    outs2 = [pl.pallas_call(
        functools.partial(_stage2_body, NB=NB),
        grid=(BG, N // TN),
        in_specs=[
            pl.BlockSpec((1, H1, TN), lambda b, n: (b, 0, n)),
            pl.BlockSpec((2, H1), lambda b, n: (0, 0)),
            pl.BlockSpec((2, H1), lambda b, n: (0, 0)),
            pl.BlockSpec((1, H1), lambda b, n: (0, 0)),
            pl.BlockSpec((1, H1), lambda b, n: (0, 0)),
            pl.BlockSpec((H2, H1), lambda b, n: (0, 0)),
        ],
        out_specs=[
            pl.BlockSpec((1, H2, TN), lambda b, n: (b, 0, n)),
            pl.BlockSpec((2, H2), lambda b, n: (0, 0)),
        ],
        out_shape=[
            jax.ShapeDtypeStruct((BG, H2, N), jnp.float32),
            jax.ShapeDtypeStruct((2, H2), jnp.float32),
        ],
    )(y1s[g], st1s[0], st1s[1], g1.reshape(1, H1), be1.reshape(1, H1), W2)
        for g in range(G)]
    y2s = [o[0] for o in outs2]
    st2s = [o[1] for o in outs2]

    outs = [pl.pallas_call(
        functools.partial(_stage3_body, NB=NB),
        grid=(BG, N // TN),
        in_specs=[
            pl.BlockSpec((1, H2, TN), lambda b, n: (b, 0, n)),
            pl.BlockSpec((2, H2), lambda b, n: (0, 0)),
            pl.BlockSpec((2, H2), lambda b, n: (0, 0)),
            pl.BlockSpec((1, H2), lambda b, n: (0, 0)),
            pl.BlockSpec((1, H2), lambda b, n: (0, 0)),
        ],
        out_specs=pl.BlockSpec((1, H2, TN), lambda b, n: (b, 0, n)),
        out_shape=jax.ShapeDtypeStruct((BG, H2, N), jnp.float32),
    )(y2s[g], st2s[0], st2s[1], g2.reshape(1, H2), be2.reshape(1, H2))
        for g in range(G)]
    return jnp.concatenate(outs, axis=0)

# --- scband reference (transcript-rebuilt; emitter-appended) ---
"""Pipeline reference for scband-point-net-feature-propagation-3143916061382 (READ-ONLY COPY).

The authoritative reference and input builder live on the scoring server;
editing this copy changes nothing except your own understanding.
"""

import jax, jax.numpy as jnp
import numpy as np

B, N, S, C1, C2 = 16, 4096, 1024, 256, 256
IN_CH = C1 + C2
H1, H2 = 512, 256


def setup_inputs(seed: int = 0) -> dict:
    key = jax.random.key(seed)
    ks = jax.random.split(key, 8)
    xyz1 = jax.random.uniform(ks[0], (B, N, 3), dtype=jnp.float32)
    xyz2 = jax.random.uniform(ks[1], (B, S, 3), dtype=jnp.float32)
    points1 = jax.random.normal(ks[2], (B, C1, N), dtype=jnp.float32)
    points2 = jax.random.normal(ks[3], (B, C2, S), dtype=jnp.float32)
    W1 = jax.random.normal(ks[4], (H1, IN_CH), dtype=jnp.float32) * 0.05
    b1 = jnp.zeros((H1,), jnp.float32)
    g1 = jnp.ones((H1,), jnp.float32)
    be1 = jnp.zeros((H1,), jnp.float32)
    W2 = jax.random.normal(ks[5], (H2, H1), dtype=jnp.float32) * 0.05
    b2 = jnp.zeros((H2,), jnp.float32)
    g2 = jnp.ones((H2,), jnp.float32)
    be2 = jnp.zeros((H2,), jnp.float32)
    return {"xyz1": xyz1, "xyz2": xyz2, "points1": points1, "points2": points2,
            "W1": W1, "b1": b1, "g1": g1, "be1": be1,
            "W2": W2, "b2": b2, "g2": g2, "be2": be2}


def _bn_relu(x, gamma, beta, eps=1e-5):
    # BatchNorm1d in training mode: batch statistics over (B, N) per channel
    mean = jnp.mean(x, axis=(0, 2), keepdims=True)
    var = jnp.var(x, axis=(0, 2), keepdims=True)
    xh = (x - mean) / jnp.sqrt(var + eps)
    return jax.nn.relu(xh * gamma[None, :, None] + beta[None, :, None])


def reference(xyz1, xyz2, points1, points2, W1, b1, g1, be1, W2, b2, g2, be2):
    # square_distance (B, N, S)
    dist = -2.0 * jnp.matmul(xyz1, xyz2.transpose(0, 2, 1))
    dist = dist + jnp.sum(xyz1 ** 2, axis=-1)[:, :, None]
    dist = dist + jnp.sum(xyz2 ** 2, axis=-1)[:, None, :]
    # 3 nearest neighbors (sort ascending, take first 3) == top_k of -dist
    neg_d, idx = jax.lax.top_k(-dist, 3)
    d3 = -neg_d  # (B, N, 3)
    dist_recip = 1.0 / (d3 + 1e-8)
    norm = jnp.sum(dist_recip, axis=-1, keepdims=True)
    weight = dist_recip / norm  # (B, N, 3)
    p2t = points2.transpose(0, 2, 1)  # (B, S, C2)
    gathered = jax.vmap(lambda p, i: p[i])(p2t, idx)  # (B, N, 3, C2)
    interpolated = jnp.sum(gathered * weight[..., None], axis=2)  # (B, N, C2)
    interpolated = interpolated.transpose(0, 2, 1)  # (B, C2, N)
    x = jnp.concatenate([points1, interpolated], axis=1)  # (B, C1+C2, N)
    x = jnp.einsum('oc,bcn->bon', W1, x) + b1[None, :, None]
    x = _bn_relu(x, g1, be1)
    x = jnp.einsum('oc,bcn->bon', W2, x) + b2[None, :, None]
    x = _bn_relu(x, g2, be2)
    return x

if __name__ == "__main__":
    import jax
    _d = setup_inputs()
    print(jax.jit(kernel)(*tuple(_d.values())))

</pallas_src>

<mosaic_0001>
#map = affine_map<(d0, d1) -> (0, 0)>
#map1 = affine_map<(d0, d1) -> (0)>
module attributes {stable_mosaic.version = 14 : i64} {
  func.func @k(%arg0: i32, %arg1: i32, %arg2: memref<16384x256xf32, #tpu.memory_space<hbm>>, %arg3: memref<98304xi32, #tpu.memory_space<hbm>>, %arg4: memref<98304xf32, #tpu.memory_space<hbm>>, %arg5: memref<32768x256xf32, #tpu.memory_space<hbm>>, %arg6: memref<96xi32, #tpu.memory_space<vmem>>, %arg7: memref<96x256xf32, #tpu.memory_space<vmem>>, %arg8: memref<32x256xf32, #tpu.memory_space<vmem>>, %arg9: memref<96xf32, #tpu.memory_space<vmem>>, %arg10: memref<!tpu.dma_semaphore, #tpu.memory_space<semaphore_mem>>) attributes {dimension_semantics = [#tpu.dimension_semantics<core_parallel>, #tpu.dimension_semantics<subcore_parallel>], iteration_bounds = array<i64: 2, 16>, scalar_prefetch = 0 : i64, scratch_operands = 5 : i64, tpu.core_type = #tpu.core_type<sc_vector_subcore>, window_params = [{transform_indices = #map}, {transform_indices = #map1}, {transform_indices = #map1}, {transform_indices = #map}]} {
    %mul3A = arith.constant 2 : i32
    %mul3A_0 = arith.muli %arg1, %mul3A : i32
    %add3A = arith.addi %mul3A_0, %arg0 : i32
    %mul3A_1 = arith.constant 1024 : i32
    %mul3A_2 = arith.muli %add3A, %mul3A_1 : i32
    %scan3A = arith.constant 0 : i32
    %scan3A_3 = arith.constant 32 : i32
    %scan3A_4 = arith.addi %scan3A, %scan3A_3 : i32
    %scan3A_5 = arith.constant 1 : i32
    scf.for %scan3A_7 = %scan3A to %scan3A_4 step %scan3A_5  : i32 {
      %mul3A_8 = arith.constant 32 : i32
      %mul3A_9 = arith.muli %scan3A_7, %mul3A_8 : i32
      %add3A_10 = arith.constant 0 : i32
      %add3A_11 = arith.addi %add3A_10, %mul3A_9 : i32
      %add3A_12 = arith.addi %mul3A_2, %add3A_11 : i32
      %mul3A_13 = arith.constant 3 : i32
      %mul3A_14 = arith.muli %add3A_12, %mul3A_13 : i32
      "tpu.region"() ({
        %run_scoped3A = tpu.sem_alloc : memref<!tpu.dma_semaphore, #tpu.memory_space<semaphore_mem>>
        %dma_start3A_25 = tpu.memref_slice %arg3[%mul3A_14] : memref<98304xi32, #tpu.memory_space<hbm>> -> memref<96xi32, #tpu.memory_space<hbm>>
        %dma_start3A_26 = tpu.memref_slice %arg3[%mul3A_14] : memref<98304xi32, #tpu.memory_space<hbm>> -> memref<96xi32, #tpu.memory_space<hbm>>
        tpu.enqueue_dma source(%dma_start3A_26 : memref<96xi32, #tpu.memory_space<hbm>>) target(%arg6 : memref<96xi32, #tpu.memory_space<vmem>>) target_semaphore(%run_scoped3A : memref<!tpu.dma_semaphore, #tpu.memory_space<semaphore_mem>>)
        %dma_wait3A_27 = tpu.memref_slice %arg3[%mul3A_14] : memref<98304xi32, #tpu.memory_space<hbm>> -> memref<96xi32, #tpu.memory_space<hbm>>
        %dma_wait3A_28 = tpu.memref_slice %arg3[%mul3A_14] : memref<98304xi32, #tpu.memory_space<hbm>> -> memref<96xi32, #tpu.memory_space<hbm>>
        tpu.wait_dma2 semaphore(%run_scoped3A : memref<!tpu.dma_semaphore, #tpu.memory_space<semaphore_mem>>) src(%dma_wait3A_28 : memref<96xi32, #tpu.memory_space<hbm>>) dst(%arg6 : memref<96xi32, #tpu.memory_space<vmem>>)
        tpu.yield
      }) : () -> ()
      "tpu.region"() ({
        %run_scoped3A = tpu.sem_alloc : memref<!tpu.dma_semaphore, #tpu.memory_space<semaphore_mem>>
        %dma_start3A_25 = tpu.memref_slice %arg4[%mul3A_14] : memref<98304xf32, #tpu.memory_space<hbm>> -> memref<96xf32, #tpu.memory_space<hbm>>
        %dma_start3A_26 = tpu.memref_slice %arg4[%mul3A_14] : memref<98304xf32, #tpu.memory_space<hbm>> -> memref<96xf32, #tpu.memory_space<hbm>>
        tpu.enqueue_dma source(%dma_start3A_26 : memref<96xf32, #tpu.memory_space<hbm>>) target(%arg9 : memref<96xf32, #tpu.memory_space<vmem>>) target_semaphore(%run_scoped3A : memref<!tpu.dma_semaphore, #tpu.memory_space<semaphore_mem>>)
        %dma_wait3A_27 = tpu.memref_slice %arg4[%mul3A_14] : memref<98304xf32, #tpu.memory_space<hbm>> -> memref<96xf32, #tpu.memory_space<hbm>>
        %dma_wait3A_28 = tpu.memref_slice %arg4[%mul3A_14] : memref<98304xf32, #tpu.memory_space<hbm>> -> memref<96xf32, #tpu.memory_space<hbm>>
        tpu.wait_dma2 semaphore(%run_scoped3A : memref<!tpu.dma_semaphore, #tpu.memory_space<semaphore_mem>>) src(%dma_wait3A_28 : memref<96xf32, #tpu.memory_space<hbm>>) dst(%arg9 : memref<96xf32, #tpu.memory_space<vmem>>)
        tpu.yield
      }) : () -> ()
      %dma_start3A = arith.constant 0 : i32
      %dma_start3A_15 = arith.constant 0 : i32
      %dma_start3A_16 = tpu.memref_slice %arg2[%dma_start3A, %dma_start3A_15] : memref<16384x256xf32, #tpu.memory_space<hbm>> -> memref<16384x256xf32, #tpu.memory_space<hbm>>
      tpu.enqueue_indirect_dma source(%dma_start3A_16 : memref<16384x256xf32, #tpu.memory_space<hbm>>) target(%arg7 : memref<96x256xf32, #tpu.memory_space<vmem>>) offsets(%arg6 : memref<96xi32, #tpu.memory_space<vmem>>) semaphore(%arg10 : memref<!tpu.dma_semaphore, #tpu.memory_space<semaphore_mem>>)
      %dma_wait3A = arith.constant 0 : i32
      %dma_wait3A_17 = arith.constant 0 : i32
      %dma_wait3A_18 = tpu.memref_slice %arg2[%dma_wait3A, %dma_wait3A_17] : memref<16384x256xf32, #tpu.memory_space<hbm>> -> memref<16384x256xf32, #tpu.memory_space<hbm>>
      tpu.wait_indirect_dma semaphore(%arg10 : memref<!tpu.dma_semaphore, #tpu.memory_space<semaphore_mem>>) src(%dma_wait3A_18 : memref<16384x256xf32, #tpu.memory_space<hbm>>) dst(%arg7 : memref<96x256xf32, #tpu.memory_space<vmem>>)
      %scan3A_19 = arith.constant 0 : i32
      %scan3A_20 = arith.constant 32 : i32
      %scan3A_21 = arith.addi %scan3A_19, %scan3A_20 : i32
      %scan3A_22 = arith.constant 1 : i32
      scf.for %scan3A_25 = %scan3A_19 to %scan3A_21 step %scan3A_22  : i32 {
        %mul3A_26 = arith.constant 1 : i32
        %mul3A_27 = arith.muli %scan3A_25, %mul3A_26 : i32
        %add3A_28 = arith.constant 0 : i32
        %add3A_29 = arith.addi %add3A_28, %mul3A_27 : i32
        %mul3A_30 = arith.constant 3 : i32
        %mul3A_31 = arith.muli %mul3A_30, %add3A_29 : i32
        %broadcast_in_dim3A = vector.broadcast %mul3A_31 : i32 to vector<16xi32>
        %gather3A = tpu.vector_load_idx %arg9[%broadcast_in_dim3A] : memref<96xf32, #tpu.memory_space<vmem>>[vector<16xi32>], vector<16xf32>,
        %mul3A_32 = arith.constant 3 : i32
        %mul3A_33 = arith.muli %mul3A_32, %add3A_29 : i32
        %add3A_34 = arith.constant 1 : i32
        %add3A_35 = arith.addi %mul3A_33, %add3A_34 : i32
        %broadcast_in_dim3A_36 = vector.broadcast %add3A_35 : i32 to vector<16xi32>
        %gather3A_37 = tpu.vector_load_idx %arg9[%broadcast_in_dim3A_36] : memref<96xf32, #tpu.memory_space<vmem>>[vector<16xi32>], vector<16xf32>,
        %mul3A_38 = arith.constant 3 : i32
        %mul3A_39 = arith.muli %mul3A_38, %add3A_29 : i32
        %add3A_40 = arith.constant 2 : i32
        %add3A_41 = arith.addi %mul3A_39, %add3A_40 : i32
        %broadcast_in_dim3A_42 = vector.broadcast %add3A_41 : i32 to vector<16xi32>
        %gather3A_43 = tpu.vector_load_idx %arg9[%broadcast_in_dim3A_42] : memref<96xf32, #tpu.memory_space<vmem>>[vector<16xi32>], vector<16xf32>,
        %scan3A_44 = arith.constant 0 : i32
        %scan3A_45 = arith.constant 16 : i32
        %scan3A_46 = arith.addi %scan3A_44, %scan3A_45 : i32
        %scan3A_47 = arith.constant 1 : i32
        scf.for %scan3A_49 = %scan3A_44 to %scan3A_46 step %scan3A_47  : i32 {
          %mul3A_50 = arith.constant 16 : i32
          %mul3A_51 = arith.muli %scan3A_49, %mul3A_50 : i32
          %add3A_52 = arith.constant 0 : i32
          %add3A_53 = arith.addi %add3A_52, %mul3A_51 : i32
          %mul3A_54 = arith.constant 3 : i32
          %mul3A_55 = arith.muli %mul3A_54, %add3A_29 : i32
          %get3A = arith.index_cast %mul3A_55 : i32 to index
          %get3A_56 = arith.index_cast %add3A_53 : i32 to index
          %get3A_57 = tpu.vector_load %arg7[%get3A, %get3A_56] {strides = array<i32>} : memref<96x256xf32, #tpu.memory_space<vmem>>, vector<16xf32>,
          %mul3A_58 = arith.mulf %gather3A, %get3A_57 : vector<16xf32>
          %mul3A_59 = arith.constant 3 : i32
          %mul3A_60 = arith.muli %mul3A_59, %add3A_29 : i32
          %add3A_61 = arith.constant 1 : i32
          %add3A_62 = arith.addi %mul3A_60, %add3A_61 : i32
          %get3A_63 = arith.index_cast %add3A_62 : i32 to index
          %get3A_64 = arith.index_cast %add3A_53 : i32 to index
          %get3A_65 = tpu.vector_load %arg7[%get3A_63, %get3A_64] {strides = array<i32>} : memref<96x256xf32, #tpu.memory_space<vmem>>, vector<16xf32>,
          %mul3A_66 = arith.mulf %gather3A_37, %get3A_65 : vector<16xf32>
          %add3A_67 = arith.addf %mul3A_58, %mul3A_66 : vector<16xf32>
          %mul3A_68 = arith.constant 3 : i32
          %mul3A_69 = arith.muli %mul3A_68, %add3A_29 : i32
          %add3A_70 = arith.constant 2 : i32
          %add3A_71 = arith.addi %mul3A_69, %add3A_70 : i32
          %get3A_72 = arith.index_cast %add3A_71 : i32 to index
          %get3A_73 = arith.index_cast %add3A_53 : i32 to index
          %get3A_74 = tpu.vector_load %arg7[%get3A_72, %get3A_73] {strides = array<i32>} : memref<96x256xf32, #tpu.memory_space<vmem>>, vector<16xf32>,
          %mul3A_75 = arith.mulf %gather3A_43, %get3A_74 : vector<16xf32>
          %add3A_76 = arith.addf %add3A_67, %mul3A_75 : vector<16xf32>
          %swap3A = arith.index_cast %add3A_29 : i32 to index
          %swap3A_77 = arith.index_cast %add3A_53 : i32 to index
          %swap3A_78 = tpu.vector_load %arg8[%swap3A, %swap3A_77] {strides = array<i32>} : memref<32x256xf32, #tpu.memory_space<vmem>>, vector<16xf32>,
          tpu.vector_store %arg8[%swap3A, %swap3A_77], %add3A_76 {strides = array<i32>} : memref<32x256xf32, #tpu.memory_space<vmem>>, vector<16xf32>,
        }
        %scan3A_48 = arith.constant 16 : i32
      }
      %scan3A_23 = arith.constant 32 : i32
      %add3A_24 = arith.addi %mul3A_2, %add3A_11 : i32
      "tpu.region"() ({
        %run_scoped3A = tpu.sem_alloc : memref<!tpu.dma_semaphore, #tpu.memory_space<semaphore_mem>>
        %dma_start3A_25 = arith.constant 0 : i32
        %dma_start3A_26 = tpu.memref_slice %arg5[%add3A_24, %dma_start3A_25] : memref<32768x256xf32, #tpu.memory_space<hbm>> -> memref<32x256xf32, #tpu.memory_space<hbm>>
        %dma_start3A_27 = arith.constant 0 : i32
        %dma_start3A_28 = tpu.memref_slice %arg5[%add3A_24, %dma_start3A_27] : memref<32768x256xf32, #tpu.memory_space<hbm>> -> memref<32x256xf32, #tpu.memory_space<hbm>>
        tpu.enqueue_dma source(%arg8 : memref<32x256xf32, #tpu.memory_space<vmem>>) target(%dma_start3A_28 : memref<32x256xf32, #tpu.memory_space<hbm>>) target_semaphore(%run_scoped3A : memref<!tpu.dma_semaphore, #tpu.memory_space<semaphore_mem>>)
        %dma_wait3A_29 = arith.constant 0 : i32
        %dma_wait3A_30 = tpu.memref_slice %arg5[%add3A_24, %dma_wait3A_29] : memref<32768x256xf32, #tpu.memory_space<hbm>> -> memref<32x256xf32, #tpu.memory_space<hbm>>
        %dma_wait3A_31 = arith.constant 0 : i32
        %dma_wait3A_32 = tpu.memref_slice %arg5[%add3A_24, %dma_wait3A_31] : memref<32768x256xf32, #tpu.memory_space<hbm>> -> memref<32x256xf32, #tpu.memory_space<hbm>>
        tpu.wait_dma2 semaphore(%run_scoped3A : memref<!tpu.dma_semaphore, #tpu.memory_space<semaphore_mem>>) src(%arg8 : memref<32x256xf32, #tpu.memory_space<vmem>>) dst(%dma_wait3A_32 : memref<32x256xf32, #tpu.memory_space<hbm>>)
        tpu.yield
      }) : () -> ()
    }
    %scan3A_6 = arith.constant 32 : i32
    return
  }
}

#map = affine_map<(d0, d1) -> (0, 0)>
#map1 = affine_map<(d0, d1) -> (0)>
module attributes {stable_mosaic.version = 14 : i64} {
  func.func @k(%arg0: i32, %arg1: i32, %arg2: memref<16384x256xf32, #tpu.memory_space<hbm>>, %arg3: memref<98304xi32, #tpu.memory_space<hbm>>, %arg4: memref<98304xf32, #tpu.memory_space<hbm>>, %arg5: memref<32768x256xf32, #tpu.memory_space<hbm>>, %arg6: memref<96xi32, #tpu.memory_space<vmem>>, %arg7: memref<96x256xf32, #tpu.memory_space<vmem>>, %arg8: memref<32x256xf32, #tpu.memory_space<vmem>>, %arg9: memref<96xf32, #tpu.memory_space<vmem>>, %arg10: memref<!tpu.dma_semaphore, #tpu.memory_space<semaphore_mem>>) attributes {dimension_semantics = [#tpu.dimension_semantics<core_parallel>, #tpu.dimension_semantics<subcore_parallel>], iteration_bounds = array<i64: 2, 16>, scalar_prefetch = 0 : i64, scratch_operands = 5 : i64, tpu.core_type = #tpu.core_type<sc_vector_subcore>, window_params = [{transform_indices = #map}, {transform_indices = #map1}, {transform_indices = #map1}, {transform_indices = #map}]} {
    %mul3A = arith.constant 2 : i32
    %mul3A_0 = arith.muli %arg1, %mul3A : i32
    %add3A = arith.addi %mul3A_0, %arg0 : i32
    %mul3A_1 = arith.constant 1024 : i32
    %mul3A_2 = arith.muli %add3A, %mul3A_1 : i32
    %scan3A = arith.constant 0 : i32
    %scan3A_3 = arith.constant 32 : i32
    %scan3A_4 = arith.addi %scan3A, %scan3A_3 : i32
    %scan3A_5 = arith.constant 1 : i32
    scf.for %scan3A_7 = %scan3A to %scan3A_4 step %scan3A_5  : i32 {
      %mul3A_8 = arith.constant 32 : i32
      %mul3A_9 = arith.muli %scan3A_7, %mul3A_8 : i32
      %add3A_10 = arith.constant 0 : i32
      %add3A_11 = arith.addi %add3A_10, %mul3A_9 : i32
      %add3A_12 = arith.addi %mul3A_2, %add3A_11 : i32
      %mul3A_13 = arith.constant 3 : i32
      %mul3A_14 = arith.muli %add3A_12, %mul3A_13 : i32
      "tpu.region"() ({
        %run_scoped3A = tpu.sem_alloc : memref<!tpu.dma_semaphore, #tpu.memory_space<semaphore_mem>>
        %dma_start3A_25 = tpu.memref_slice %arg3[%mul3A_14] : memref<98304xi32, #tpu.memory_space<hbm>> -> memref<96xi32, #tpu.memory_space<hbm>>
        %dma_start3A_26 = tpu.memref_slice %arg3[%mul3A_14] : memref<98304xi32, #tpu.memory_space<hbm>> -> memref<96xi32, #tpu.memory_space<hbm>>
        tpu.enqueue_dma source(%dma_start3A_26 : memref<96xi32, #tpu.memory_space<hbm>>) target(%arg6 : memref<96xi32, #tpu.memory_space<vmem>>) target_semaphore(%run_scoped3A : memref<!tpu.dma_semaphore, #tpu.memory_space<semaphore_mem>>)
        %dma_wait3A_27 = tpu.memref_slice %arg3[%mul3A_14] : memref<98304xi32, #tpu.memory_space<hbm>> -> memref<96xi32, #tpu.memory_space<hbm>>
        %dma_wait3A_28 = tpu.memref_slice %arg3[%mul3A_14] : memref<98304xi32, #tpu.memory_space<hbm>> -> memref<96xi32, #tpu.memory_space<hbm>>
        tpu.wait_dma2 semaphore(%run_scoped3A : memref<!tpu.dma_semaphore, #tpu.memory_space<semaphore_mem>>) src(%dma_wait3A_28 : memref<96xi32, #tpu.memory_space<hbm>>) dst(%arg6 : memref<96xi32, #tpu.memory_space<vmem>>)
        tpu.yield
      }) : () -> ()
      "tpu.region"() ({
        %run_scoped3A = tpu.sem_alloc : memref<!tpu.dma_semaphore, #tpu.memory_space<semaphore_mem>>
        %dma_start3A_25 = tpu.memref_slice %arg4[%mul3A_14] : memref<98304xf32, #tpu.memory_space<hbm>> -> memref<96xf32, #tpu.memory_space<hbm>>
        %dma_start3A_26 = tpu.memref_slice %arg4[%mul3A_14] : memref<98304xf32, #tpu.memory_space<hbm>> -> memref<96xf32, #tpu.memory_space<hbm>>
        tpu.enqueue_dma source(%dma_start3A_26 : memref<96xf32, #tpu.memory_space<hbm>>) target(%arg9 : memref<96xf32, #tpu.memory_space<vmem>>) target_semaphore(%run_scoped3A : memref<!tpu.dma_semaphore, #tpu.memory_space<semaphore_mem>>)
        %dma_wait3A_27 = tpu.memref_slice %arg4[%mul3A_14] : memref<98304xf32, #tpu.memory_space<hbm>> -> memref<96xf32, #tpu.memory_space<hbm>>
        %dma_wait3A_28 = tpu.memref_slice %arg4[%mul3A_14] : memref<98304xf32, #tpu.memory_space<hbm>> -> memref<96xf32, #tpu.memory_space<hbm>>
        tpu.wait_dma2 semaphore(%run_scoped3A : memref<!tpu.dma_semaphore, #tpu.memory_space<semaphore_mem>>) src(%dma_wait3A_28 : memref<96xf32, #tpu.memory_space<hbm>>) dst(%arg9 : memref<96xf32, #tpu.memory_space<vmem>>)
        tpu.yield
      }) : () -> ()
      %dma_start3A = arith.constant 0 : i32
      %dma_start3A_15 = arith.constant 0 : i32
      %dma_start3A_16 = tpu.memref_slice %arg2[%dma_start3A, %dma_start3A_15] : memref<16384x256xf32, #tpu.memory_space<hbm>> -> memref<16384x256xf32, #tpu.memory_space<hbm>>
      tpu.enqueue_indirect_dma source(%dma_start3A_16 : memref<16384x256xf32, #tpu.memory_space<hbm>>) target(%arg7 : memref<96x256xf32, #tpu.memory_space<vmem>>) offsets(%arg6 : memref<96xi32, #tpu.memory_space<vmem>>) semaphore(%arg10 : memref<!tpu.dma_semaphore, #tpu.memory_space<semaphore_mem>>)
      %dma_wait3A = arith.constant 0 : i32
      %dma_wait3A_17 = arith.constant 0 : i32
      %dma_wait3A_18 = tpu.memref_slice %arg2[%dma_wait3A, %dma_wait3A_17] : memref<16384x256xf32, #tpu.memory_space<hbm>> -> memref<16384x256xf32, #tpu.memory_space<hbm>>
      tpu.wait_indirect_dma semaphore(%arg10 : memref<!tpu.dma_semaphore, #tpu.memory_space<semaphore_mem>>) src(%dma_wait3A_18 : memref<16384x256xf32, #tpu.memory_space<hbm>>) dst(%arg7 : memref<96x256xf32, #tpu.memory_space<vmem>>)
      %scan3A_19 = arith.constant 0 : i32
      %scan3A_20 = arith.constant 32 : i32
      %scan3A_21 = arith.addi %scan3A_19, %scan3A_20 : i32
      %scan3A_22 = arith.constant 1 : i32
      scf.for %scan3A_25 = %scan3A_19 to %scan3A_21 step %scan3A_22  : i32 {
        %mul3A_26 = arith.constant 1 : i32
        %mul3A_27 = arith.muli %scan3A_25, %mul3A_26 : i32
        %add3A_28 = arith.constant 0 : i32
        %add3A_29 = arith.addi %add3A_28, %mul3A_27 : i32
        %mul3A_30 = arith.constant 3 : i32
        %mul3A_31 = arith.muli %mul3A_30, %add3A_29 : i32
        %broadcast_in_dim3A = vector.broadcast %mul3A_31 : i32 to vector<16xi32>
        %gather3A = tpu.vector_load_idx %arg9[%broadcast_in_dim3A] : memref<96xf32, #tpu.memory_space<vmem>>[vector<16xi32>], vector<16xf32>,
        %mul3A_32 = arith.constant 3 : i32
        %mul3A_33 = arith.muli %mul3A_32, %add3A_29 : i32
        %add3A_34 = arith.constant 1 : i32
        %add3A_35 = arith.addi %mul3A_33, %add3A_34 : i32
        %broadcast_in_dim3A_36 = vector.broadcast %add3A_35 : i32 to vector<16xi32>
        %gather3A_37 = tpu.vector_load_idx %arg9[%broadcast_in_dim3A_36] : memref<96xf32, #tpu.memory_space<vmem>>[vector<16xi32>], vector<16xf32>,
        %mul3A_38 = arith.constant 3 : i32
        %mul3A_39 = arith.muli %mul3A_38, %add3A_29 : i32
        %add3A_40 = arith.constant 2 : i32
        %add3A_41 = arith.addi %mul3A_39, %add3A_40 : i32
        %broadcast_in_dim3A_42 = vector.broadcast %add3A_41 : i32 to vector<16xi32>
        %gather3A_43 = tpu.vector_load_idx %arg9[%broadcast_in_dim3A_42] : memref<96xf32, #tpu.memory_space<vmem>>[vector<16xi32>], vector<16xf32>,
        %scan3A_44 = arith.constant 0 : i32
        %scan3A_45 = arith.constant 16 : i32
        %scan3A_46 = arith.addi %scan3A_44, %scan3A_45 : i32
        %scan3A_47 = arith.constant 1 : i32
        scf.for %scan3A_49 = %scan3A_44 to %scan3A_46 step %scan3A_47  : i32 {
          %mul3A_50 = arith.constant 16 : i32
          %mul3A_51 = arith.muli %scan3A_49, %mul3A_50 : i32
          %add3A_52 = arith.constant 0 : i32
          %add3A_53 = arith.addi %add3A_52, %mul3A_51 : i32
          %mul3A_54 = arith.constant 3 : i32
          %mul3A_55 = arith.muli %mul3A_54, %add3A_29 : i32
          %get3A = arith.index_cast %mul3A_55 : i32 to index
          %get3A_56 = arith.index_cast %add3A_53 : i32 to index
          %get3A_57 = tpu.vector_load %arg7[%get3A, %get3A_56] {strides = array<i32>} : memref<96x256xf32, #tpu.memory_space<vmem>>, vector<16xf32>,
          %mul3A_58 = arith.mulf %gather3A, %get3A_57 : vector<16xf32>
          %mul3A_59 = arith.constant 3 : i32
          %mul3A_60 = arith.muli %mul3A_59, %add3A_29 : i32
          %add3A_61 = arith.constant 1 : i32
          %add3A_62 = arith.addi %mul3A_60, %add3A_61 : i32
          %get3A_63 = arith.index_cast %add3A_62 : i32 to index
          %get3A_64 = arith.index_cast %add3A_53 : i32 to index
          %get3A_65 = tpu.vector_load %arg7[%get3A_63, %get3A_64] {strides = array<i32>} : memref<96x256xf32, #tpu.memory_space<vmem>>, vector<16xf32>,
          %mul3A_66 = arith.mulf %gather3A_37, %get3A_65 : vector<16xf32>
          %add3A_67 = arith.addf %mul3A_58, %mul3A_66 : vector<16xf32>
          %mul3A_68 = arith.constant 3 : i32
          %mul3A_69 = arith.muli %mul3A_68, %add3A_29 : i32
          %add3A_70 = arith.constant 2 : i32
          %add3A_71 = arith.addi %mul3A_69, %add3A_70 : i32
          %get3A_72 = arith.index_cast %add3A_71 : i32 to index
          %get3A_73 = arith.index_cast %add3A_53 : i32 to index
          %get3A_74 = tpu.vector_load %arg7[%get3A_72, %get3A_73] {strides = array<i32>} : memref<96x256xf32, #tpu.memory_space<vmem>>, vector<16xf32>,
          %mul3A_75 = arith.mulf %gather3A_43, %get3A_74 : vector<16xf32>
          %add3A_76 = arith.addf %add3A_67, %mul3A_75 : vector<16xf32>
          %swap3A = arith.index_cast %add3A_29 : i32 to index
          %swap3A_77 = arith.index_cast %add3A_53 : i32 to index
          %swap3A_78 = tpu.vector_load %arg8[%swap3A, %swap3A_77] {strides = array<i32>} : memref<32x256xf32, #tpu.memory_space<vmem>>, vector<16xf32>,
          tpu.vector_store %arg8[%swap3A, %swap3A_77], %add3A_76 {strides = array<i32>} : memref<32x256xf32, #tpu.memory_space<vmem>>, vector<16xf32>,
        }
        %scan3A_48 = arith.constant 16 : i32
      }
      %scan3A_23 = arith.constant 32 : i32
      %add3A_24 = arith.addi %mul3A_2, %add3A_11 : i32
      "tpu.region"() ({
        %run_scoped3A = tpu.sem_alloc : memref<!tpu.dma_semaphore, #tpu.memory_space<semaphore_mem>>
        %dma_start3A_25 = arith.constant 0 : i32
        %dma_start3A_26 = tpu.memref_slice %arg5[%add3A_24, %dma_start3A_25] : memref<32768x256xf32, #tpu.memory_space<hbm>> -> memref<32x256xf32, #tpu.memory_space<hbm>>
        %dma_start3A_27 = arith.constant 0 : i32
        %dma_start3A_28 = tpu.memref_slice %arg5[%add3A_24, %dma_start3A_27] : memref<32768x256xf32, #tpu.memory_space<hbm>> -> memref<32x256xf32, #tpu.memory_space<hbm>>
        tpu.enqueue_dma source(%arg8 : memref<32x256xf32, #tpu.memory_space<vmem>>) target(%dma_start3A_28 : memref<32x256xf32, #tpu.memory_space<hbm>>) target_semaphore(%run_scoped3A : memref<!tpu.dma_semaphore, #tpu.memory_space<semaphore_mem>>)
        %dma_wait3A_29 = arith.constant 0 : i32
        %dma_wait3A_30 = tpu.memref_slice %arg5[%add3A_24, %dma_wait3A_29] : memref<32768x256xf32, #tpu.memory_space<hbm>> -> memref<32x256xf32, #tpu.memory_space<hbm>>
        %dma_wait3A_31 = arith.constant 0 : i32
        %dma_wait3A_32 = tpu.memref_slice %arg5[%add3A_24, %dma_wait3A_31] : memref<32768x256xf32, #tpu.memory_space<hbm>> -> memref<32x256xf32, #tpu.memory_space<hbm>>
        tpu.wait_dma2 semaphore(%run_scoped3A : memref<!tpu.dma_semaphore, #tpu.memory_space<semaphore_mem>>) src(%arg8 : memref<32x256xf32, #tpu.memory_space<vmem>>) dst(%dma_wait3A_32 : memref<32x256xf32, #tpu.memory_space<hbm>>)
        tpu.yield
      }) : () -> ()
    }
    %scan3A_6 = arith.constant 32 : i32
    return
  }
}

module attributes {stable_mosaic.version = 14 : i64} {
  func.func @_knn_body(%arg0: i32, %arg1: i32, %arg2: memref<1x512x8xf32, #tpu.memory_space<vmem>>, %arg3: memref<1x1024x8xf32, #tpu.memory_space<vmem>>, %arg4: memref<1x512x3xi32, #tpu.memory_space<vmem>>, %arg5: memref<1x512x3xf32, #tpu.memory_space<vmem>>) attributes {dimension_semantics = [#tpu.dimension_semantics<arbitrary>, #tpu.dimension_semantics<arbitrary>], iteration_bounds = array<i64: 8, 8>, scalar_prefetch = 0 : i64, scratch_operands = 0 : i64, tpu.core_type = #tpu.core_type<tc>, window_params = [{transform_indices = @transform_0, window_bounds = array<i64: 1, 512, 8>}, {transform_indices = @transform_1, window_bounds = array<i64: 1, 1024, 8>}, {transform_indices = @transform_2, window_bounds = array<i64: 1, 512, 3>}, {transform_indices = @transform_3, window_bounds = array<i64: 1, 512, 3>}]} {
    %get3A = arith.constant 0 : index
    %get3A_0 = arith.constant 0 : index
    %get3A_1 = arith.constant 0 : index
    %get3A_2 = vector.load %arg2[%get3A, %get3A_0, %get3A_1] : memref<1x512x8xf32, #tpu.memory_space<vmem>>, vector<1x512x8xf32>
    %get3A_3 = vector.shape_cast %get3A_2 : vector<1x512x8xf32> to vector<512x8xf32>
    %get3A_4 = arith.constant 0 : index
    %get3A_5 = arith.constant 0 : index
    %get3A_6 = arith.constant 0 : index
    %get3A_7 = vector.load %arg3[%get3A_4, %get3A_5, %get3A_6] : memref<1x1024x8xf32, #tpu.memory_space<vmem>>, vector<1x1024x8xf32>
    %get3A_8 = vector.shape_cast %get3A_7 : vector<1x1024x8xf32> to vector<1024x8xf32>
    %mul3A = arith.constant -2.000000e+00 : f32
    %mul3A_9 = vector.broadcast %mul3A : f32 to vector<512x8xf32>
    %mul3A_10 = arith.mulf %mul3A_9, %get3A_3 : vector<512x8xf32>
    %dot_general3A = arith.constant dense<0.000000e+00> : vector<512x1024xf32>
    %dot_general3A_11 = tpu.matmul %mul3A_10, %get3A_8, %dot_general3A {dimension_numbers = #tpu.dot_dimension_numbers<[1], [1], [0], [0], [0, 0, 1, 0], [], []>, transpose_lhs_hint = false} : vector<512x8xf32>, vector<1024x8xf32>, vector<512x1024xf32> -> vector<512x1024xf32>
    %mul3A_12 = arith.mulf %get3A_3, %get3A_3 : vector<512x8xf32>
    %reduce_sum3A = arith.constant dense<0.000000e+00> : vector<512xf32>
    %reduce_sum3A_13 = vector.multi_reduction <add>, %mul3A_12, %reduce_sum3A [1] : vector<512x8xf32> to vector<512xf32>
    %broadcast_in_dim3A = vector.shape_cast %reduce_sum3A_13 : vector<512xf32> to vector<512x1xf32>
    %mul3A_14 = arith.mulf %get3A_8, %get3A_8 : vector<1024x8xf32>
    %reduce_sum3A_15 = arith.constant dense<0.000000e+00> : vector<1024xf32>
    %reduce_sum3A_16 = vector.multi_reduction <add>, %mul3A_14, %reduce_sum3A_15 [1] : vector<1024x8xf32> to vector<1024xf32>
    %broadcast_in_dim3A_17 = vector.shape_cast %reduce_sum3A_16 : vector<1024xf32> to vector<1024x1xf32>
    %add3A = vector.broadcast %broadcast_in_dim3A : vector<512x1xf32> to vector<512x1024xf32>
    %add3A_18 = arith.addf %dot_general3A_11, %add3A : vector<512x1024xf32>
    %reshape3A = vector.shape_cast %broadcast_in_dim3A_17 : vector<1024x1xf32> to vector<1x1024xf32>
    %add3A_19 = vector.broadcast %reshape3A : vector<1x1024xf32> to vector<512x1024xf32>
    %add3A_20 = arith.addf %add3A_18, %add3A_19 : vector<512x1024xf32>
    %iota3A = tpu.iota {dimensions = array<i32: 1>} : vector<512x1024xi32>
    %reduce_min3A = arith.constant dense<0x7F800000> : vector<512xf32>
    %reduce_min3A_21 = vector.multi_reduction <minimumf>, %add3A_20, %reduce_min3A [1] : vector<512x1024xf32> to vector<512xf32>
    %broadcast_in_dim3A_22 = vector.shape_cast %reduce_min3A_21 : vector<512xf32> to vector<512x1xf32>
    %eq3A = vector.broadcast %broadcast_in_dim3A_22 : vector<512x1xf32> to vector<512x1024xf32>
    %eq3A_23 = arith.cmpf oeq, %add3A_20, %eq3A : vector<512x1024xf32>
    %jit3A = arith.constant 1024 : i32
    %broadcast_in_dim3A_24 = vector.broadcast %jit3A : i32 to vector<512x1024xi32>
    %select_n3A = arith.select %eq3A_23, %iota3A, %broadcast_in_dim3A_24 : vector<512x1024xi1>, vector<512x1024xi32>
    %reduce_min3A_25 = arith.constant dense<2147483647> : vector<512xi32>
    %reduce_min3A_26 = vector.multi_reduction <minsi>, %select_n3A, %reduce_min3A_25 [1] : vector<512x1024xi32> to vector<512xi32>
    %broadcast_in_dim3A_27 = vector.shape_cast %reduce_min3A_26 : vector<512xi32> to vector<512x1xi32>
    %jit3A_28 = arith.constant 0x7F800000 : f32
    %broadcast_in_dim3A_29 = vector.broadcast %jit3A_28 : f32 to vector<512x1024xf32>
    %select_n3A_30 = arith.select %eq3A_23, %broadcast_in_dim3A_29, %add3A_20 : vector<512x1024xi1>, vector<512x1024xf32>
    %reduce_min3A_31 = arith.constant dense<0x7F800000> : vector<512xf32>
    %reduce_min3A_32 = vector.multi_reduction <minimumf>, %select_n3A_30, %reduce_min3A_31 [1] : vector<512x1024xf32> to vector<512xf32>
    %broadcast_in_dim3A_33 = vector.shape_cast %reduce_min3A_32 : vector<512xf32> to vector<512x1xf32>
    %eq3A_34 = vector.broadcast %broadcast_in_dim3A_33 : vector<512x1xf32> to vector<512x1024xf32>
    %eq3A_35 = arith.cmpf oeq, %select_n3A_30, %eq3A_34 : vector<512x1024xf32>
    %jit3A_36 = arith.constant 1024 : i32
    %broadcast_in_dim3A_37 = vector.broadcast %jit3A_36 : i32 to vector<512x1024xi32>
    %select_n3A_38 = arith.select %eq3A_35, %iota3A, %broadcast_in_dim3A_37 : vector<512x1024xi1>, vector<512x1024xi32>
    %reduce_min3A_39 = arith.constant dense<2147483647> : vector<512xi32>
    %reduce_min3A_40 = vector.multi_reduction <minsi>, %select_n3A_38, %reduce_min3A_39 [1] : vector<512x1024xi32> to vector<512xi32>
    %broadcast_in_dim3A_41 = vector.shape_cast %reduce_min3A_40 : vector<512xi32> to vector<512x1xi32>
    %jit3A_42 = arith.constant 0x7F800000 : f32
    %broadcast_in_dim3A_43 = vector.broadcast %jit3A_42 : f32 to vector<512x1024xf32>
    %select_n3A_44 = arith.select %eq3A_35, %broadcast_in_dim3A_43, %select_n3A_30 : vector<512x1024xi1>, vector<512x1024xf32>
    %reduce_min3A_45 = arith.constant dense<0x7F800000> : vector<512xf32>
    %reduce_min3A_46 = vector.multi_reduction <minimumf>, %select_n3A_44, %reduce_min3A_45 [1] : vector<512x1024xf32> to vector<512xf32>
    %broadcast_in_dim3A_47 = vector.shape_cast %reduce_min3A_46 : vector<512xf32> to vector<512x1xf32>
    %eq3A_48 = vector.broadcast %broadcast_in_dim3A_47 : vector<512x1xf32> to vector<512x1024xf32>
    %eq3A_49 = arith.cmpf oeq, %select_n3A_44, %eq3A_48 : vector<512x1024xf32>
    %jit3A_50 = arith.constant 1024 : i32
    %broadcast_in_dim3A_51 = vector.broadcast %jit3A_50 : i32 to vector<512x1024xi32>
    %select_n3A_52 = arith.select %eq3A_49, %iota3A, %broadcast_in_dim3A_51 : vector<512x1024xi1>, vector<512x1024xi32>
    %reduce_min3A_53 = arith.constant dense<2147483647> : vector<512xi32>
    %reduce_min3A_54 = vector.multi_reduction <minsi>, %select_n3A_52, %reduce_min3A_53 [1] : vector<512x1024xi32> to vector<512xi32>
    %broadcast_in_dim3A_55 = vector.shape_cast %reduce_min3A_54 : vector<512xi32> to vector<512x1xi32>
    %concatenate3A = tpu.concatenate %broadcast_in_dim3A_27, %broadcast_in_dim3A_41, %broadcast_in_dim3A_55 in 1 : vector<512x1xi32>, vector<512x1xi32>, vector<512x1xi32> -> vector<512x3xi32>
    %add3A_56 = arith.constant 0 : i32
    %add3A_57 = arith.addi %arg0, %add3A_56 : i32
    %mul3A_58 = arith.constant 1024 : i32
    %mul3A_59 = arith.muli %add3A_57, %mul3A_58 : i32
    %add3A_60 = vector.broadcast %mul3A_59 : i32 to vector<512x3xi32>
    %add3A_61 = arith.addi %concatenate3A, %add3A_60 : vector<512x3xi32>
    %swap3A = arith.constant 0 : index
    %swap3A_62 = arith.constant 0 : index
    %swap3A_63 = arith.constant 0 : index
    %swap3A_64 = vector.load %arg4[%swap3A, %swap3A_62, %swap3A_63] : memref<1x512x3xi32, #tpu.memory_space<vmem>>, vector<1x512x3xi32>
    %swap3A_65 = vector.shape_cast %swap3A_64 : vector<1x512x3xi32> to vector<512x3xi32>
    %swap3A_66 = vector.shape_cast %add3A_61 : vector<512x3xi32> to vector<1x512x3xi32>
    tpu.vector_store %arg4[%swap3A, %swap3A_62, %swap3A_63], %swap3A_66 {strides = array<i32>} : memref<1x512x3xi32, #tpu.memory_space<vmem>>, vector<1x512x3xi32>,
    %add3A_67 = arith.constant 9.99999993E-9 : f32
    %add3A_68 = vector.broadcast %add3A_67 : f32 to vector<512x1xf32>
    %add3A_69 = arith.addf %broadcast_in_dim3A_22, %add3A_68 : vector<512x1xf32>
    %div3A = arith.constant 1.000000e+00 : f32
    %div3A_70 = vector.broadcast %div3A : f32 to vector<512x1xf32>
    %div3A_71 = arith.divf %div3A_70, %add3A_69 : vector<512x1xf32>
    %add3A_72 = arith.constant 9.99999993E-9 : f32
    %add3A_73 = vector.broadcast %add3A_72 : f32 to vector<512x1xf32>
    %add3A_74 = arith.addf %broadcast_in_dim3A_33, %add3A_73 : vector<512x1xf32>
    %div3A_75 = arith.constant 1.000000e+00 : f32
    %div3A_76 = vector.broadcast %div3A_75 : f32 to vector<512x1xf32>
    %div3A_77 = arith.divf %div3A_76, %add3A_74 : vector<512x1xf32>
    %add3A_78 = arith.constant 9.99999993E-9 : f32
    %add3A_79 = vector.broadcast %add3A_78 : f32 to vector<512x1xf32>
    %add3A_80 = arith.addf %broadcast_in_dim3A_47, %add3A_79 : vector<512x1xf32>
    %div3A_81 = arith.constant 1.000000e+00 : f32
    %div3A_82 = vector.broadcast %div3A_81 : f32 to vector<512x1xf32>
    %div3A_83 = arith.divf %div3A_82, %add3A_80 : vector<512x1xf32>
    %add3A_84 = arith.addf %div3A_71, %div3A_77 : vector<512x1xf32>
    %add3A_85 = arith.addf %add3A_84, %div3A_83 : vector<512x1xf32>
    %div3A_86 = arith.constant 1.000000e+00 : f32
    %div3A_87 = vector.broadcast %div3A_86 : f32 to vector<512x1xf32>
    %div3A_88 = arith.divf %div3A_87, %add3A_85 : vector<512x1xf32>
    %mul3A_89 = arith.mulf %div3A_71, %div3A_88 : vector<512x1xf32>
    %mul3A_90 = arith.mulf %div3A_77, %div3A_88 : vector<512x1xf32>
    %mul3A_91 = arith.mulf %div3A_83, %div3A_88 : vector<512x1xf32>
    %concatenate3A_92 = tpu.concatenate %mul3A_89, %mul3A_90, %mul3A_91 in 1 : vector<512x1xf32>, vector<512x1xf32>, vector<512x1xf32> -> vector<512x3xf32>
    %swap3A_93 = arith.constant 0 : index
    %swap3A_94 = arith.constant 0 : index
    %swap3A_95 = arith.constant 0 : index
    %swap3A_96 = vector.load %arg5[%swap3A_93, %swap3A_94, %swap3A_95] : memref<1x512x3xf32, #tpu.memory_space<vmem>>, vector<1x512x3xf32>
    %swap3A_97 = vector.shape_cast %swap3A_96 : vector<1x512x3xf32> to vector<512x3xf32>
    %swap3A_98 = vector.shape_cast %concatenate3A_92 : vector<512x3xf32> to vector<1x512x3xf32>
    tpu.vector_store %arg5[%swap3A_93, %swap3A_94, %swap3A_95], %swap3A_98 {strides = array<i32>} : memref<1x512x3xf32, #tpu.memory_space<vmem>>, vector<1x512x3xf32>,
    return
  }
  func.func @transform_0(%arg0: i32, %arg1: i32) -> (i32, i32, i32) {
    %c0_i32 = arith.constant 0 : i32
    %c0_i32_0 = arith.constant 0 : i32
    return %arg0, %arg1, %c0_i32 : i32, i32, i32
  }
  func.func @transform_1(%arg0: i32, %arg1: i32) -> (i32, i32, i32) {
    %c0_i32 = arith.constant 0 : i32
    %c0_i32_0 = arith.constant 0 : i32
    %c0_i32_1 = arith.constant 0 : i32
    return %arg0, %c0_i32, %c0_i32_0 : i32, i32, i32
  }
  func.func @transform_2(%arg0: i32, %arg1: i32) -> (i32, i32, i32) {
    %c0_i32 = arith.constant 0 : i32
    %c0_i32_0 = arith.constant 0 : i32
    return %arg0, %arg1, %c0_i32 : i32, i32, i32
  }
  func.func @transform_3(%arg0: i32, %arg1: i32) -> (i32, i32, i32) {
    %c0_i32 = arith.constant 0 : i32
    %c0_i32_0 = arith.constant 0 : i32
    return %arg0, %arg1, %c0_i32 : i32, i32, i32
  }
}

module attributes {stable_mosaic.version = 14 : i64} {
  func.func @_knn_body(%arg0: i32, %arg1: i32, %arg2: memref<1x512x8xf32, #tpu.memory_space<vmem>>, %arg3: memref<1x1024x8xf32, #tpu.memory_space<vmem>>, %arg4: memref<1x512x3xi32, #tpu.memory_space<vmem>>, %arg5: memref<1x512x3xf32, #tpu.memory_space<vmem>>) attributes {dimension_semantics = [#tpu.dimension_semantics<arbitrary>, #tpu.dimension_semantics<arbitrary>], iteration_bounds = array<i64: 8, 8>, scalar_prefetch = 0 : i64, scratch_operands = 0 : i64, tpu.core_type = #tpu.core_type<tc>, window_params = [{transform_indices = @transform_0, window_bounds = array<i64: 1, 512, 8>}, {transform_indices = @transform_1, window_bounds = array<i64: 1, 1024, 8>}, {transform_indices = @transform_2, window_bounds = array<i64: 1, 512, 3>}, {transform_indices = @transform_3, window_bounds = array<i64: 1, 512, 3>}]} {
    %get3A = arith.constant 0 : index
    %get3A_0 = arith.constant 0 : index
    %get3A_1 = arith.constant 0 : index
    %get3A_2 = vector.load %arg2[%get3A, %get3A_0, %get3A_1] : memref<1x512x8xf32, #tpu.memory_space<vmem>>, vector<1x512x8xf32>
    %get3A_3 = vector.shape_cast %get3A_2 : vector<1x512x8xf32> to vector<512x8xf32>
    %get3A_4 = arith.constant 0 : index
    %get3A_5 = arith.constant 0 : index
    %get3A_6 = arith.constant 0 : index
    %get3A_7 = vector.load %arg3[%get3A_4, %get3A_5, %get3A_6] : memref<1x1024x8xf32, #tpu.memory_space<vmem>>, vector<1x1024x8xf32>
    %get3A_8 = vector.shape_cast %get3A_7 : vector<1x1024x8xf32> to vector<1024x8xf32>
    %mul3A = arith.constant -2.000000e+00 : f32
    %mul3A_9 = vector.broadcast %mul3A : f32 to vector<512x8xf32>
    %mul3A_10 = arith.mulf %mul3A_9, %get3A_3 : vector<512x8xf32>
    %dot_general3A = arith.constant dense<0.000000e+00> : vector<512x1024xf32>
    %dot_general3A_11 = tpu.matmul %mul3A_10, %get3A_8, %dot_general3A {dimension_numbers = #tpu.dot_dimension_numbers<[1], [1], [0], [0], [0, 0, 1, 0], [], []>, transpose_lhs_hint = false} : vector<512x8xf32>, vector<1024x8xf32>, vector<512x1024xf32> -> vector<512x1024xf32>
    %mul3A_12 = arith.mulf %get3A_3, %get3A_3 : vector<512x8xf32>
    %reduce_sum3A = arith.constant dense<0.000000e+00> : vector<512xf32>
    %reduce_sum3A_13 = vector.multi_reduction <add>, %mul3A_12, %reduce_sum3A [1] : vector<512x8xf32> to vector<512xf32>
    %broadcast_in_dim3A = vector.shape_cast %reduce_sum3A_13 : vector<512xf32> to vector<512x1xf32>
    %mul3A_14 = arith.mulf %get3A_8, %get3A_8 : vector<1024x8xf32>
    %reduce_sum3A_15 = arith.constant dense<0.000000e+00> : vector<1024xf32>
    %reduce_sum3A_16 = vector.multi_reduction <add>, %mul3A_14, %reduce_sum3A_15 [1] : vector<1024x8xf32> to vector<1024xf32>
    %broadcast_in_dim3A_17 = vector.shape_cast %reduce_sum3A_16 : vector<1024xf32> to vector<1024x1xf32>
    %add3A = vector.broadcast %broadcast_in_dim3A : vector<512x1xf32> to vector<512x1024xf32>
    %add3A_18 = arith.addf %dot_general3A_11, %add3A : vector<512x1024xf32>
    %reshape3A = vector.shape_cast %broadcast_in_dim3A_17 : vector<1024x1xf32> to vector<1x1024xf32>
    %add3A_19 = vector.broadcast %reshape3A : vector<1x1024xf32> to vector<512x1024xf32>
    %add3A_20 = arith.addf %add3A_18, %add3A_19 : vector<512x1024xf32>
    %iota3A = tpu.iota {dimensions = array<i32: 1>} : vector<512x1024xi32>
    %reduce_min3A = arith.constant dense<0x7F800000> : vector<512xf32>
    %reduce_min3A_21 = vector.multi_reduction <minimumf>, %add3A_20, %reduce_min3A [1] : vector<512x1024xf32> to vector<512xf32>
    %broadcast_in_dim3A_22 = vector.shape_cast %reduce_min3A_21 : vector<512xf32> to vector<512x1xf32>
    %eq3A = vector.broadcast %broadcast_in_dim3A_22 : vector<512x1xf32> to vector<512x1024xf32>
    %eq3A_23 = arith.cmpf oeq, %add3A_20, %eq3A : vector<512x1024xf32>
    %jit3A = arith.constant 1024 : i32
    %broadcast_in_dim3A_24 = vector.broadcast %jit3A : i32 to vector<512x1024xi32>
    %select_n3A = arith.select %eq3A_23, %iota3A, %broadcast_in_dim3A_24 : vector<512x1024xi1>, vector<512x1024xi32>
    %reduce_min3A_25 = arith.constant dense<2147483647> : vector<512xi32>
    %reduce_min3A_26 = vector.multi_reduction <minsi>, %select_n3A, %reduce_min3A_25 [1] : vector<512x1024xi32> to vector<512xi32>
    %broadcast_in_dim3A_27 = vector.shape_cast %reduce_min3A_26 : vector<512xi32> to vector<512x1xi32>
    %jit3A_28 = arith.constant 0x7F800000 : f32
    %broadcast_in_dim3A_29 = vector.broadcast %jit3A_28 : f32 to vector<512x1024xf32>
    %select_n3A_30 = arith.select %eq3A_23, %broadcast_in_dim3A_29, %add3A_20 : vector<512x1024xi1>, vector<512x1024xf32>
    %reduce_min3A_31 = arith.constant dense<0x7F800000> : vector<512xf32>
    %reduce_min3A_32 = vector.multi_reduction <minimumf>, %select_n3A_30, %reduce_min3A_31 [1] : vector<512x1024xf32> to vector<512xf32>
    %broadcast_in_dim3A_33 = vector.shape_cast %reduce_min3A_32 : vector<512xf32> to vector<512x1xf32>
    %eq3A_34 = vector.broadcast %broadcast_in_dim3A_33 : vector<512x1xf32> to vector<512x1024xf32>
    %eq3A_35 = arith.cmpf oeq, %select_n3A_30, %eq3A_34 : vector<512x1024xf32>
    %jit3A_36 = arith.constant 1024 : i32
    %broadcast_in_dim3A_37 = vector.broadcast %jit3A_36 : i32 to vector<512x1024xi32>
    %select_n3A_38 = arith.select %eq3A_35, %iota3A, %broadcast_in_dim3A_37 : vector<512x1024xi1>, vector<512x1024xi32>
    %reduce_min3A_39 = arith.constant dense<2147483647> : vector<512xi32>
    %reduce_min3A_40 = vector.multi_reduction <minsi>, %select_n3A_38, %reduce_min3A_39 [1] : vector<512x1024xi32> to vector<512xi32>
    %broadcast_in_dim3A_41 = vector.shape_cast %reduce_min3A_40 : vector<512xi32> to vector<512x1xi32>
    %jit3A_42 = arith.constant 0x7F800000 : f32
    %broadcast_in_dim3A_43 = vector.broadcast %jit3A_42 : f32 to vector<512x1024xf32>
    %select_n3A_44 = arith.select %eq3A_35, %broadcast_in_dim3A_43, %select_n3A_30 : vector<512x1024xi1>, vector<512x1024xf32>
    %reduce_min3A_45 = arith.constant dense<0x7F800000> : vector<512xf32>
    %reduce_min3A_46 = vector.multi_reduction <minimumf>, %select_n3A_44, %reduce_min3A_45 [1] : vector<512x1024xf32> to vector<512xf32>
    %broadcast_in_dim3A_47 = vector.shape_cast %reduce_min3A_46 : vector<512xf32> to vector<512x1xf32>
    %eq3A_48 = vector.broadcast %broadcast_in_dim3A_47 : vector<512x1xf32> to vector<512x1024xf32>
    %eq3A_49 = arith.cmpf oeq, %select_n3A_44, %eq3A_48 : vector<512x1024xf32>
    %jit3A_50 = arith.constant 1024 : i32
    %broadcast_in_dim3A_51 = vector.broadcast %jit3A_50 : i32 to vector<512x1024xi32>
    %select_n3A_52 = arith.select %eq3A_49, %iota3A, %broadcast_in_dim3A_51 : vector<512x1024xi1>, vector<512x1024xi32>
    %reduce_min3A_53 = arith.constant dense<2147483647> : vector<512xi32>
    %reduce_min3A_54 = vector.multi_reduction <minsi>, %select_n3A_52, %reduce_min3A_53 [1] : vector<512x1024xi32> to vector<512xi32>
    %broadcast_in_dim3A_55 = vector.shape_cast %reduce_min3A_54 : vector<512xi32> to vector<512x1xi32>
    %concatenate3A = tpu.concatenate %broadcast_in_dim3A_27, %broadcast_in_dim3A_41, %broadcast_in_dim3A_55 in 1 : vector<512x1xi32>, vector<512x1xi32>, vector<512x1xi32> -> vector<512x3xi32>
    %add3A_56 = arith.constant 8 : i32
    %add3A_57 = arith.addi %arg0, %add3A_56 : i32
    %mul3A_58 = arith.constant 1024 : i32
    %mul3A_59 = arith.muli %add3A_57, %mul3A_58 : i32
    %add3A_60 = vector.broadcast %mul3A_59 : i32 to vector<512x3xi32>
    %add3A_61 = arith.addi %concatenate3A, %add3A_60 : vector<512x3xi32>
    %swap3A = arith.constant 0 : index
    %swap3A_62 = arith.constant 0 : index
    %swap3A_63 = arith.constant 0 : index
    %swap3A_64 = vector.load %arg4[%swap3A, %swap3A_62, %swap3A_63] : memref<1x512x3xi32, #tpu.memory_space<vmem>>, vector<1x512x3xi32>
    %swap3A_65 = vector.shape_cast %swap3A_64 : vector<1x512x3xi32> to vector<512x3xi32>
    %swap3A_66 = vector.shape_cast %add3A_61 : vector<512x3xi32> to vector<1x512x3xi32>
    tpu.vector_store %arg4[%swap3A, %swap3A_62, %swap3A_63], %swap3A_66 {strides = array<i32>} : memref<1x512x3xi32, #tpu.memory_space<vmem>>, vector<1x512x3xi32>,
    %add3A_67 = arith.constant 9.99999993E-9 : f32
    %add3A_68 = vector.broadcast %add3A_67 : f32 to vector<512x1xf32>
    %add3A_69 = arith.addf %broadcast_in_dim3A_22, %add3A_68 : vector<512x1xf32>
    %div3A = arith.constant 1.000000e+00 : f32
    %div3A_70 = vector.broadcast %div3A : f32 to vector<512x1xf32>
    %div3A_71 = arith.divf %div3A_70, %add3A_69 : vector<512x1xf32>
    %add3A_72 = arith.constant 9.99999993E-9 : f32
    %add3A_73 = vector.broadcast %add3A_72 : f32 to vector<512x1xf32>
    %add3A_74 = arith.addf %broadcast_in_dim3A_33, %add3A_73 : vector<512x1xf32>
    %div3A_75 = arith.constant 1.000000e+00 : f32
    %div3A_76 = vector.broadcast %div3A_75 : f32 to vector<512x1xf32>
    %div3A_77 = arith.divf %div3A_76, %add3A_74 : vector<512x1xf32>
    %add3A_78 = arith.constant 9.99999993E-9 : f32
    %add3A_79 = vector.broadcast %add3A_78 : f32 to vector<512x1xf32>
    %add3A_80 = arith.addf %broadcast_in_dim3A_47, %add3A_79 : vector<512x1xf32>
    %div3A_81 = arith.constant 1.000000e+00 : f32
    %div3A_82 = vector.broadcast %div3A_81 : f32 to vector<512x1xf32>
    %div3A_83 = arith.divf %div3A_82, %add3A_80 : vector<512x1xf32>
    %add3A_84 = arith.addf %div3A_71, %div3A_77 : vector<512x1xf32>
    %add3A_85 = arith.addf %add3A_84, %div3A_83 : vector<512x1xf32>
    %div3A_86 = arith.constant 1.000000e+00 : f32
    %div3A_87 = vector.broadcast %div3A_86 : f32 to vector<512x1xf32>
    %div3A_88 = arith.divf %div3A_87, %add3A_85 : vector<512x1xf32>
    %mul3A_89 = arith.mulf %div3A_71, %div3A_88 : vector<512x1xf32>
    %mul3A_90 = arith.mulf %div3A_77, %div3A_88 : vector<512x1xf32>
    %mul3A_91 = arith.mulf %div3A_83, %div3A_88 : vector<512x1xf32>
    %concatenate3A_92 = tpu.concatenate %mul3A_89, %mul3A_90, %mul3A_91 in 1 : vector<512x1xf32>, vector<512x1xf32>, vector<512x1xf32> -> vector<512x3xf32>
    %swap3A_93 = arith.constant 0 : index
    %swap3A_94 = arith.constant 0 : index
    %swap3A_95 = arith.constant 0 : index
    %swap3A_96 = vector.load %arg5[%swap3A_93, %swap3A_94, %swap3A_95] : memref<1x512x3xf32, #tpu.memory_space<vmem>>, vector<1x512x3xf32>
    %swap3A_97 = vector.shape_cast %swap3A_96 : vector<1x512x3xf32> to vector<512x3xf32>
    %swap3A_98 = vector.shape_cast %concatenate3A_92 : vector<512x3xf32> to vector<1x512x3xf32>
    tpu.vector_store %arg5[%swap3A_93, %swap3A_94, %swap3A_95], %swap3A_98 {strides = array<i32>} : memref<1x512x3xf32, #tpu.memory_space<vmem>>, vector<1x512x3xf32>,
    return
  }
  func.func @transform_0(%arg0: i32, %arg1: i32) -> (i32, i32, i32) {
    %c0_i32 = arith.constant 0 : i32
    %c0_i32_0 = arith.constant 0 : i32
    return %arg0, %arg1, %c0_i32 : i32, i32, i32
  }
  func.func @transform_1(%arg0: i32, %arg1: i32) -> (i32, i32, i32) {
    %c0_i32 = arith.constant 0 : i32
    %c0_i32_0 = arith.constant 0 : i32
    %c0_i32_1 = arith.constant 0 : i32
    return %arg0, %c0_i32, %c0_i32_0 : i32, i32, i32
  }
  func.func @transform_2(%arg0: i32, %arg1: i32) -> (i32, i32, i32) {
    %c0_i32 = arith.constant 0 : i32
    %c0_i32_0 = arith.constant 0 : i32
    return %arg0, %arg1, %c0_i32 : i32, i32, i32
  }
  func.func @transform_3(%arg0: i32, %arg1: i32) -> (i32, i32, i32) {
    %c0_i32 = arith.constant 0 : i32
    %c0_i32_0 = arith.constant 0 : i32
    return %arg0, %arg1, %c0_i32 : i32, i32, i32
  }
}

module attributes {stable_mosaic.version = 14 : i64} {
  func.func @_mlp1_body(%arg0: i32, %arg1: i32, %arg2: memref<1x256x512xf32, #tpu.memory_space<vmem>>, %arg3: memref<1x512x256xf32, #tpu.memory_space<vmem>>, %arg4: memref<512x512xf32, #tpu.memory_space<vmem>>, %arg5: memref<1x512x512xf32, #tpu.memory_space<vmem>>, %arg6: memref<2x512xf32, #tpu.memory_space<vmem>>) attributes {dimension_semantics = [#tpu.dimension_semantics<arbitrary>, #tpu.dimension_semantics<arbitrary>], iteration_bounds = array<i64: 8, 8>, scalar_prefetch = 0 : i64, scratch_operands = 0 : i64, tpu.core_type = #tpu.core_type<tc>, window_params = [{transform_indices = @transform_0, window_bounds = array<i64: 1, 256, 512>}, {transform_indices = @transform_1, window_bounds = array<i64: 1, 512, 256>}, {pipeline_mode = #tpu.pipeline_mode<synchronous>, transform_indices = @transform_2, window_bounds = array<i64: 512, 512>}, {transform_indices = @transform_3, window_bounds = array<i64: 1, 512, 512>}, {pipeline_mode = #tpu.pipeline_mode<synchronous>, transform_indices = @transform_4, window_bounds = array<i64: 2, 512>}]} {
    %get3A = arith.constant 0 : index
    %get3A_0 = arith.constant 0 : index
    %get3A_1 = arith.constant 0 : index
    %get3A_2 = vector.load %arg2[%get3A, %get3A_0, %get3A_1] : memref<1x256x512xf32, #tpu.memory_space<vmem>>, vector<1x256x512xf32>
    %get3A_3 = vector.shape_cast %get3A_2 : vector<1x256x512xf32> to vector<256x512xf32>
    %get3A_4 = arith.constant 0 : index
    %get3A_5 = arith.constant 0 : index
    %get3A_6 = arith.constant 0 : index
    %get3A_7 = vector.load %arg3[%get3A_4, %get3A_5, %get3A_6] : memref<1x512x256xf32, #tpu.memory_space<vmem>>, vector<1x512x256xf32>
    %get3A_8 = vector.shape_cast %get3A_7 : vector<1x512x256xf32> to vector<512x256xf32>
    %get3A_9 = arith.constant 0 : index
    %get3A_10 = arith.constant 0 : index
    %get3A_11 = vector.load %arg4[%get3A_9, %get3A_10] : memref<512x512xf32, #tpu.memory_space<vmem>>, vector<512x256xf32>
    %dot_general3A = arith.constant dense<0.000000e+00> : vector<512x512xf32>
    %dot_general3A_12 = tpu.matmul %get3A_11, %get3A_3, %dot_general3A {dimension_numbers = #tpu.dot_dimension_numbers<[1], [0], [0], [1], [0, 0, 1, 1], [], []>, transpose_lhs_hint = false} : vector<512x256xf32>, vector<256x512xf32>, vector<512x512xf32> -> vector<512x512xf32>
    %get3A_13 = arith.constant 0 : index
    %get3A_14 = arith.constant 256 : index
    %get3A_15 = vector.load %arg4[%get3A_13, %get3A_14] : memref<512x512xf32, #tpu.memory_space<vmem>>, vector<512x256xf32>
    %dot_general3A_16 = arith.constant dense<0.000000e+00> : vector<512x512xf32>
    %dot_general3A_17 = tpu.matmul %get3A_15, %get3A_8, %dot_general3A_16 {dimension_numbers = #tpu.dot_dimension_numbers<[1], [1], [0], [0], [0, 0, 1, 0], [], []>, transpose_lhs_hint = false} : vector<512x256xf32>, vector<512x256xf32>, vector<512x512xf32> -> vector<512x512xf32>
    %add3A = arith.addf %dot_general3A_12, %dot_general3A_17 : vector<512x512xf32>
    %swap3A = arith.constant 0 : index
    %swap3A_18 = arith.constant 0 : index
    %swap3A_19 = arith.constant 0 : index
    %swap3A_20 = vector.load %arg5[%swap3A, %swap3A_18, %swap3A_19] : memref<1x512x512xf32, #tpu.memory_space<vmem>>, vector<1x512x512xf32>
    %swap3A_21 = vector.shape_cast %swap3A_20 : vector<1x512x512xf32> to vector<512x512xf32>
    %swap3A_22 = vector.shape_cast %add3A : vector<512x512xf32> to vector<1x512x512xf32>
    tpu.vector_store %arg5[%swap3A, %swap3A_18, %swap3A_19], %swap3A_22 {strides = array<i32>} : memref<1x512x512xf32, #tpu.memory_space<vmem>>, vector<1x512x512xf32>,
    %reduce_sum3A = arith.constant dense<0.000000e+00> : vector<512xf32>
    %reduce_sum3A_23 = vector.multi_reduction <add>, %add3A, %reduce_sum3A [1] : vector<512x512xf32> to vector<512xf32>
    %mul3A = arith.mulf %add3A, %add3A : vector<512x512xf32>
    %reduce_sum3A_24 = arith.constant dense<0.000000e+00> : vector<512xf32>
    %reduce_sum3A_25 = vector.multi_reduction <add>, %mul3A, %reduce_sum3A_24 [1] : vector<512x512xf32> to vector<512xf32>
    %broadcast_in_dim3A = vector.shape_cast %reduce_sum3A_23 : vector<512xf32> to vector<1x512xf32>
    %broadcast_in_dim3A_26 = vector.shape_cast %reduce_sum3A_25 : vector<512xf32> to vector<1x512xf32>
    %concatenate3A = tpu.concatenate %broadcast_in_dim3A, %broadcast_in_dim3A_26 in 0 : vector<1x512xf32>, vector<1x512xf32> -> vector<2x512xf32>
    %eq3A = arith.constant 0 : i32
    %eq3A_27 = arith.cmpi eq, %arg0, %eq3A : i32
    %eq3A_28 = arith.constant 0 : i32
    %eq3A_29 = arith.cmpi eq, %arg1, %eq3A_28 : i32
    %and3A = arith.andi %eq3A_27, %eq3A_29 : i1
    %convert_element_type3A = arith.extui %and3A : i1 to i32
    %cond3A = arith.constant 0 : i32
    %cond3A_30 = arith.cmpi ne, %convert_element_type3A, %cond3A : i32
    scf.if %cond3A_30 {
      %swap3A_35 = arith.constant 0 : index
      %swap3A_36 = arith.constant 0 : index
      %swap3A_37 = vector.load %arg6[%swap3A_35, %swap3A_36] : memref<2x512xf32, #tpu.memory_space<vmem>>, vector<2x512xf32>
      tpu.vector_store %arg6[%swap3A_35, %swap3A_36], %concatenate3A {strides = array<i32>} : memref<2x512xf32, #tpu.memory_space<vmem>>, vector<2x512xf32>,
    } else {
    }
    %not3A = arith.constant true
    %not3A_31 = arith.xori %and3A, %not3A : i1
    %convert_element_type3A_32 = arith.extui %not3A_31 : i1 to i32
    %cond3A_33 = arith.constant 0 : i32
    %cond3A_34 = arith.cmpi ne, %convert_element_type3A_32, %cond3A_33 : i32
    scf.if %cond3A_34 {
      %get3A_35 = arith.constant 0 : index
      %get3A_36 = arith.constant 0 : index
      %get3A_37 = vector.load %arg6[%get3A_35, %get3A_36] : memref<2x512xf32, #tpu.memory_space<vmem>>, vector<2x512xf32>
      %add3A_38 = arith.addf %get3A_37, %concatenate3A : vector<2x512xf32>
      %swap3A_39 = arith.constant 0 : index
      %swap3A_40 = arith.constant 0 : index
      %swap3A_41 = vector.load %arg6[%swap3A_39, %swap3A_40] : memref<2x512xf32, #tpu.memory_space<vmem>>, vector<2x512xf32>
      tpu.vector_store %arg6[%swap3A_39, %swap3A_40], %add3A_38 {strides = array<i32>} : memref<2x512xf32, #tpu.memory_space<vmem>>, vector<2x512xf32>,
    } else {
    }
    return
  }
  func.func @transform_0(%arg0: i32, %arg1: i32) -> (i32, i32, i32) {
    %c0_i32 = arith.constant 0 : i32
    %c0_i32_0 = arith.constant 0 : i32
    return %arg0, %c0_i32, %arg1 : i32, i32, i32
  }
  func.func @transform_1(%arg0: i32, %arg1: i32) -> (i32, i32, i32) {
    %c0_i32 = arith.constant 0 : i32
    %c0_i32_0 = arith.constant 0 : i32
    return %arg0, %arg1, %c0_i32 : i32, i32, i32
  }
  func.func @transform_2(%arg0: i32, %arg1: i32) -> (i32, i32) {
    %c0_i32 = arith.constant 0 : i32
    %c0_i32_0 = arith.constant 0 : i32
    %c0_i32_1 = arith.constant 0 : i32
    return %c0_i32, %c0_i32_0 : i32, i32
  }
  func.func @transform_3(%arg0: i32, %arg1: i32) -> (i32, i32, i32) {
    %c0_i32 = arith.constant 0 : i32
    %c0_i32_0 = arith.constant 0 : i32
    return %arg0, %c0_i32, %arg1 : i32, i32, i32
  }
  func.func @transform_4(%arg0: i32, %arg1: i32) -> (i32, i32) {
    %c0_i32 = arith.constant 0 : i32
    %c0_i32_0 = arith.constant 0 : i32
    %c0_i32_1 = arith.constant 0 : i32
    return %c0_i32, %c0_i32_0 : i32, i32
  }
}

module attributes {stable_mosaic.version = 14 : i64} {
  func.func @_stage2_body(%arg0: i32, %arg1: i32, %arg2: memref<1x512x512xf32, #tpu.memory_space<vmem>>, %arg3: memref<2x512xf32, #tpu.memory_space<vmem>>, %arg4: memref<2x512xf32, #tpu.memory_space<vmem>>, %arg5: memref<1x512xf32, #tpu.memory_space<vmem>>, %arg6: memref<1x512xf32, #tpu.memory_space<vmem>>, %arg7: memref<256x512xf32, #tpu.memory_space<vmem>>, %arg8: memref<1x256x512xf32, #tpu.memory_space<vmem>>, %arg9: memref<2x256xf32, #tpu.memory_space<vmem>>) attributes {dimension_semantics = [#tpu.dimension_semantics<arbitrary>, #tpu.dimension_semantics<arbitrary>], iteration_bounds = array<i64: 8, 8>, scalar_prefetch = 0 : i64, scratch_operands = 0 : i64, tpu.core_type = #tpu.core_type<tc>, window_params = [{transform_indices = @transform_0, window_bounds = array<i64: 1, 512, 512>}, {pipeline_mode = #tpu.pipeline_mode<synchronous>, transform_indices = @transform_1, window_bounds = array<i64: 2, 512>}, {pipeline_mode = #tpu.pipeline_mode<synchronous>, transform_indices = @transform_2, window_bounds = array<i64: 2, 512>}, {pipeline_mode = #tpu.pipeline_mode<synchronous>, transform_indices = @transform_3, window_bounds = array<i64: 1, 512>}, {pipeline_mode = #tpu.pipeline_mode<synchronous>, transform_indices = @transform_4, window_bounds = array<i64: 1, 512>}, {pipeline_mode = #tpu.pipeline_mode<synchronous>, transform_indices = @transform_5, window_bounds = array<i64: 256, 512>}, {transform_indices = @transform_6, window_bounds = array<i64: 1, 256, 512>}, {pipeline_mode = #tpu.pipeline_mode<synchronous>, transform_indices = @transform_7, window_bounds = array<i64: 2, 256>}]} {
    %get3A = arith.constant 0 : index
    %get3A_0 = arith.constant 0 : index
    %get3A_1 = vector.load %arg3[%get3A, %get3A_0] : memref<2x512xf32, #tpu.memory_space<vmem>>, vector<1x512xf32>
    %get3A_2 = vector.shape_cast %get3A_1 : vector<1x512xf32> to vector<512xf32>
    %get3A_3 = arith.constant 0 : index
    %get3A_4 = arith.constant 0 : index
    %get3A_5 = vector.load %arg4[%get3A_3, %get3A_4] : memref<2x512xf32, #tpu.memory_space<vmem>>, vector<1x512xf32>
    %get3A_6 = vector.shape_cast %get3A_5 : vector<1x512xf32> to vector<512xf32>
    %add3A = arith.addf %get3A_2, %get3A_6 : vector<512xf32>
    %get3A_7 = arith.constant 1 : index
    %get3A_8 = arith.constant 0 : index
    %get3A_9 = vector.load %arg3[%get3A_7, %get3A_8] : memref<2x512xf32, #tpu.memory_space<vmem>>, vector<1x512xf32>
    %get3A_10 = vector.shape_cast %get3A_9 : vector<1x512xf32> to vector<512xf32>
    %get3A_11 = arith.constant 1 : index
    %get3A_12 = arith.constant 0 : index
    %get3A_13 = vector.load %arg4[%get3A_11, %get3A_12] : memref<2x512xf32, #tpu.memory_space<vmem>>, vector<1x512xf32>
    %get3A_14 = vector.shape_cast %get3A_13 : vector<1x512xf32> to vector<512xf32>
    %add3A_15 = arith.addf %get3A_10, %get3A_14 : vector<512xf32>
    %mul3A = arith.constant 1.52587891E-5 : f32
    %mul3A_16 = vector.broadcast %mul3A : f32 to vector<512xf32>
    %mul3A_17 = arith.mulf %add3A, %mul3A_16 : vector<512xf32>
    %mul3A_18 = arith.constant 1.52587891E-5 : f32
    %mul3A_19 = vector.broadcast %mul3A_18 : f32 to vector<512xf32>
    %mul3A_20 = arith.mulf %add3A_15, %mul3A_19 : vector<512xf32>
    %mul3A_21 = arith.mulf %mul3A_17, %mul3A_17 : vector<512xf32>
    %sub3A = arith.subf %mul3A_20, %mul3A_21 : vector<512xf32>
    %get3A_22 = arith.constant 0 : index
    %get3A_23 = arith.constant 0 : index
    %get3A_24 = vector.load %arg5[%get3A_22, %get3A_23] : memref<1x512xf32, #tpu.memory_space<vmem>>, vector<1x512xf32>
    %get3A_25 = vector.shape_cast %get3A_24 : vector<1x512xf32> to vector<512xf32>
    %add3A_26 = arith.constant 9.99999974E-6 : f32
    %add3A_27 = vector.broadcast %add3A_26 : f32 to vector<512xf32>
    %add3A_28 = arith.addf %sub3A, %add3A_27 : vector<512xf32>
    %rsqrt3A = math.rsqrt %add3A_28 : vector<512xf32>
    %mul3A_29 = arith.mulf %get3A_25, %rsqrt3A : vector<512xf32>
    %get3A_30 = arith.constant 0 : index
    %get3A_31 = arith.constant 0 : index
    %get3A_32 = vector.load %arg6[%get3A_30, %get3A_31] : memref<1x512xf32, #tpu.memory_space<vmem>>, vector<1x512xf32>
    %get3A_33 = vector.shape_cast %get3A_32 : vector<1x512xf32> to vector<512xf32>
    %mul3A_34 = arith.mulf %mul3A_17, %mul3A_29 : vector<512xf32>
    %sub3A_35 = arith.subf %get3A_33, %mul3A_34 : vector<512xf32>
    %get3A_36 = arith.constant 0 : index
    %get3A_37 = arith.constant 0 : index
    %get3A_38 = arith.constant 0 : index
    %get3A_39 = vector.load %arg2[%get3A_36, %get3A_37, %get3A_38] : memref<1x512x512xf32, #tpu.memory_space<vmem>>, vector<1x512x512xf32>
    %get3A_40 = vector.shape_cast %get3A_39 : vector<1x512x512xf32> to vector<512x512xf32>
    %broadcast_in_dim3A = vector.shape_cast %mul3A_29 : vector<512xf32> to vector<512x1xf32>
    %mul3A_41 = vector.broadcast %broadcast_in_dim3A : vector<512x1xf32> to vector<512x512xf32>
    %mul3A_42 = arith.mulf %get3A_40, %mul3A_41 : vector<512x512xf32>
    %broadcast_in_dim3A_43 = vector.shape_cast %sub3A_35 : vector<512xf32> to vector<512x1xf32>
    %add3A_44 = vector.broadcast %broadcast_in_dim3A_43 : vector<512x1xf32> to vector<512x512xf32>
    %add3A_45 = arith.addf %mul3A_42, %add3A_44 : vector<512x512xf32>
    %max3A = arith.constant 0.000000e+00 : f32
    %max3A_46 = vector.broadcast %max3A : f32 to vector<512x512xf32>
    %max3A_47 = arith.maximumf %add3A_45, %max3A_46 : vector<512x512xf32>
    %get3A_48 = arith.constant 0 : index
    %get3A_49 = arith.constant 0 : index
    %get3A_50 = vector.load %arg7[%get3A_48, %get3A_49] : memref<256x512xf32, #tpu.memory_space<vmem>>, vector<256x512xf32>
    %dot_general3A = arith.constant dense<0.000000e+00> : vector<256x512xf32>
    %dot_general3A_51 = tpu.matmul %get3A_50, %max3A_47, %dot_general3A {dimension_numbers = #tpu.dot_dimension_numbers<[1], [0], [0], [1], [0, 0, 1, 1], [], []>, transpose_lhs_hint = false} : vector<256x512xf32>, vector<512x512xf32>, vector<256x512xf32> -> vector<256x512xf32>
    %swap3A = arith.constant 0 : index
    %swap3A_52 = arith.constant 0 : index
    %swap3A_53 = arith.constant 0 : index
    %swap3A_54 = vector.load %arg8[%swap3A, %swap3A_52, %swap3A_53] : memref<1x256x512xf32, #tpu.memory_space<vmem>>, vector<1x256x512xf32>
    %swap3A_55 = vector.shape_cast %swap3A_54 : vector<1x256x512xf32> to vector<256x512xf32>
    %swap3A_56 = vector.shape_cast %dot_general3A_51 : vector<256x512xf32> to vector<1x256x512xf32>
    tpu.vector_store %arg8[%swap3A, %swap3A_52, %swap3A_53], %swap3A_56 {strides = array<i32>} : memref<1x256x512xf32, #tpu.memory_space<vmem>>, vector<1x256x512xf32>,
    %reduce_sum3A = arith.constant dense<0.000000e+00> : vector<256xf32>
    %reduce_sum3A_57 = vector.multi_reduction <add>, %dot_general3A_51, %reduce_sum3A [1] : vector<256x512xf32> to vector<256xf32>
    %mul3A_58 = arith.mulf %dot_general3A_51, %dot_general3A_51 : vector<256x512xf32>
    %reduce_sum3A_59 = arith.constant dense<0.000000e+00> : vector<256xf32>
    %reduce_sum3A_60 = vector.multi_reduction <add>, %mul3A_58, %reduce_sum3A_59 [1] : vector<256x512xf32> to vector<256xf32>
    %broadcast_in_dim3A_61 = vector.shape_cast %reduce_sum3A_57 : vector<256xf32> to vector<1x256xf32>
    %broadcast_in_dim3A_62 = vector.shape_cast %reduce_sum3A_60 : vector<256xf32> to vector<1x256xf32>
    %concatenate3A = tpu.concatenate %broadcast_in_dim3A_61, %broadcast_in_dim3A_62 in 0 : vector<1x256xf32>, vector<1x256xf32> -> vector<2x256xf32>
    %eq3A = arith.constant 0 : i32
    %eq3A_63 = arith.cmpi eq, %arg0, %eq3A : i32
    %eq3A_64 = arith.constant 0 : i32
    %eq3A_65 = arith.cmpi eq, %arg1, %eq3A_64 : i32
    %and3A = arith.andi %eq3A_63, %eq3A_65 : i1
    %convert_element_type3A = arith.extui %and3A : i1 to i32
    %cond3A = arith.constant 0 : i32
    %cond3A_66 = arith.cmpi ne, %convert_element_type3A, %cond3A : i32
    scf.if %cond3A_66 {
      %swap3A_71 = arith.constant 0 : index
      %swap3A_72 = arith.constant 0 : index
      %swap3A_73 = vector.load %arg9[%swap3A_71, %swap3A_72] : memref<2x256xf32, #tpu.memory_space<vmem>>, vector<2x256xf32>
      tpu.vector_store %arg9[%swap3A_71, %swap3A_72], %concatenate3A {strides = array<i32>} : memref<2x256xf32, #tpu.memory_space<vmem>>, vector<2x256xf32>,
    } else {
    }
    %not3A = arith.constant true
    %not3A_67 = arith.xori %and3A, %not3A : i1
    %convert_element_type3A_68 = arith.extui %not3A_67 : i1 to i32
    %cond3A_69 = arith.constant 0 : i32
    %cond3A_70 = arith.cmpi ne, %convert_element_type3A_68, %cond3A_69 : i32
    scf.if %cond3A_70 {
      %get3A_71 = arith.constant 0 : index
      %get3A_72 = arith.constant 0 : index
      %get3A_73 = vector.load %arg9[%get3A_71, %get3A_72] : memref<2x256xf32, #tpu.memory_space<vmem>>, vector<2x256xf32>
      %add3A_74 = arith.addf %get3A_73, %concatenate3A : vector<2x256xf32>
      %swap3A_75 = arith.constant 0 : index
      %swap3A_76 = arith.constant 0 : index
      %swap3A_77 = vector.load %arg9[%swap3A_75, %swap3A_76] : memref<2x256xf32, #tpu.memory_space<vmem>>, vector<2x256xf32>
      tpu.vector_store %arg9[%swap3A_75, %swap3A_76], %add3A_74 {strides = array<i32>} : memref<2x256xf32, #tpu.memory_space<vmem>>, vector<2x256xf32>,
    } else {
    }
    return
  }
  func.func @transform_0(%arg0: i32, %arg1: i32) -> (i32, i32, i32) {
    %c0_i32 = arith.constant 0 : i32
    %c0_i32_0 = arith.constant 0 : i32
    return %arg0, %c0_i32, %arg1 : i32, i32, i32
  }
  func.func @transform_1(%arg0: i32, %arg1: i32) -> (i32, i32) {
    %c0_i32 = arith.constant 0 : i32
    %c0_i32_0 = arith.constant 0 : i32
    %c0_i32_1 = arith.constant 0 : i32
    return %c0_i32, %c0_i32_0 : i32, i32
  }
  func.func @transform_2(%arg0: i32, %arg1: i32) -> (i32, i32) {
    %c0_i32 = arith.constant 0 : i32
    %c0_i32_0 = arith.constant 0 : i32
    %c0_i32_1 = arith.constant 0 : i32
    return %c0_i32, %c0_i32_0 : i32, i32
  }
  func.func @transform_3(%arg0: i32, %arg1: i32) -> (i32, i32) {
    %c0_i32 = arith.constant 0 : i32
    %c0_i32_0 = arith.constant 0 : i32
    %c0_i32_1 = arith.constant 0 : i32
    return %c0_i32, %c0_i32_0 : i32, i32
  }
  func.func @transform_4(%arg0: i32, %arg1: i32) -> (i32, i32) {
    %c0_i32 = arith.constant 0 : i32
    %c0_i32_0 = arith.constant 0 : i32
    %c0_i32_1 = arith.constant 0 : i32
    return %c0_i32, %c0_i32_0 : i32, i32
  }
  func.func @transform_5(%arg0: i32, %arg1: i32) -> (i32, i32) {
    %c0_i32 = arith.constant 0 : i32
    %c0_i32_0 = arith.constant 0 : i32
    %c0_i32_1 = arith.constant 0 : i32
    return %c0_i32, %c0_i32_0 : i32, i32
  }
  func.func @transform_6(%arg0: i32, %arg1: i32) -> (i32, i32, i32) {
    %c0_i32 = arith.constant 0 : i32
    %c0_i32_0 = arith.constant 0 : i32
    return %arg0, %c0_i32, %arg1 : i32, i32, i32
  }
  func.func @transform_7(%arg0: i32, %arg1: i32) -> (i32, i32) {
    %c0_i32 = arith.constant 0 : i32
    %c0_i32_0 = arith.constant 0 : i32
    %c0_i32_1 = arith.constant 0 : i32
    return %c0_i32, %c0_i32_0 : i32, i32
  }
}

module attributes {stable_mosaic.version = 14 : i64} {
  func.func @_stage3_body(%arg0: i32, %arg1: i32, %arg2: memref<1x256x512xf32, #tpu.memory_space<vmem>>, %arg3: memref<2x256xf32, #tpu.memory_space<vmem>>, %arg4: memref<2x256xf32, #tpu.memory_space<vmem>>, %arg5: memref<1x256xf32, #tpu.memory_space<vmem>>, %arg6: memref<1x256xf32, #tpu.memory_space<vmem>>, %arg7: memref<1x256x512xf32, #tpu.memory_space<vmem>>) attributes {dimension_semantics = [#tpu.dimension_semantics<arbitrary>, #tpu.dimension_semantics<arbitrary>], iteration_bounds = array<i64: 8, 8>, scalar_prefetch = 0 : i64, scratch_operands = 0 : i64, tpu.core_type = #tpu.core_type<tc>, window_params = [{transform_indices = @transform_0, window_bounds = array<i64: 1, 256, 512>}, {pipeline_mode = #tpu.pipeline_mode<synchronous>, transform_indices = @transform_1, window_bounds = array<i64: 2, 256>}, {pipeline_mode = #tpu.pipeline_mode<synchronous>, transform_indices = @transform_2, window_bounds = array<i64: 2, 256>}, {pipeline_mode = #tpu.pipeline_mode<synchronous>, transform_indices = @transform_3, window_bounds = array<i64: 1, 256>}, {pipeline_mode = #tpu.pipeline_mode<synchronous>, transform_indices = @transform_4, window_bounds = array<i64: 1, 256>}, {transform_indices = @transform_5, window_bounds = array<i64: 1, 256, 512>}]} {
    %get3A = arith.constant 0 : index
    %get3A_0 = arith.constant 0 : index
    %get3A_1 = vector.load %arg3[%get3A, %get3A_0] : memref<2x256xf32, #tpu.memory_space<vmem>>, vector<1x256xf32>
    %get3A_2 = vector.shape_cast %get3A_1 : vector<1x256xf32> to vector<256xf32>
    %get3A_3 = arith.constant 0 : index
    %get3A_4 = arith.constant 0 : index
    %get3A_5 = vector.load %arg4[%get3A_3, %get3A_4] : memref<2x256xf32, #tpu.memory_space<vmem>>, vector<1x256xf32>
    %get3A_6 = vector.shape_cast %get3A_5 : vector<1x256xf32> to vector<256xf32>
    %add3A = arith.addf %get3A_2, %get3A_6 : vector<256xf32>
    %get3A_7 = arith.constant 1 : index
    %get3A_8 = arith.constant 0 : index
    %get3A_9 = vector.load %arg3[%get3A_7, %get3A_8] : memref<2x256xf32, #tpu.memory_space<vmem>>, vector<1x256xf32>
    %get3A_10 = vector.shape_cast %get3A_9 : vector<1x256xf32> to vector<256xf32>
    %get3A_11 = arith.constant 1 : index
    %get3A_12 = arith.constant 0 : index
    %get3A_13 = vector.load %arg4[%get3A_11, %get3A_12] : memref<2x256xf32, #tpu.memory_space<vmem>>, vector<1x256xf32>
    %get3A_14 = vector.shape_cast %get3A_13 : vector<1x256xf32> to vector<256xf32>
    %add3A_15 = arith.addf %get3A_10, %get3A_14 : vector<256xf32>
    %mul3A = arith.constant 1.52587891E-5 : f32
    %mul3A_16 = vector.broadcast %mul3A : f32 to vector<256xf32>
    %mul3A_17 = arith.mulf %add3A, %mul3A_16 : vector<256xf32>
    %mul3A_18 = arith.constant 1.52587891E-5 : f32
    %mul3A_19 = vector.broadcast %mul3A_18 : f32 to vector<256xf32>
    %mul3A_20 = arith.mulf %add3A_15, %mul3A_19 : vector<256xf32>
    %mul3A_21 = arith.mulf %mul3A_17, %mul3A_17 : vector<256xf32>
    %sub3A = arith.subf %mul3A_20, %mul3A_21 : vector<256xf32>
    %get3A_22 = arith.constant 0 : index
    %get3A_23 = arith.constant 0 : index
    %get3A_24 = vector.load %arg5[%get3A_22, %get3A_23] : memref<1x256xf32, #tpu.memory_space<vmem>>, vector<1x256xf32>
    %get3A_25 = vector.shape_cast %get3A_24 : vector<1x256xf32> to vector<256xf32>
    %add3A_26 = arith.constant 9.99999974E-6 : f32
    %add3A_27 = vector.broadcast %add3A_26 : f32 to vector<256xf32>
    %add3A_28 = arith.addf %sub3A, %add3A_27 : vector<256xf32>
    %rsqrt3A = math.rsqrt %add3A_28 : vector<256xf32>
    %mul3A_29 = arith.mulf %get3A_25, %rsqrt3A : vector<256xf32>
    %get3A_30 = arith.constant 0 : index
    %get3A_31 = arith.constant 0 : index
    %get3A_32 = vector.load %arg6[%get3A_30, %get3A_31] : memref<1x256xf32, #tpu.memory_space<vmem>>, vector<1x256xf32>
    %get3A_33 = vector.shape_cast %get3A_32 : vector<1x256xf32> to vector<256xf32>
    %mul3A_34 = arith.mulf %mul3A_17, %mul3A_29 : vector<256xf32>
    %sub3A_35 = arith.subf %get3A_33, %mul3A_34 : vector<256xf32>
    %get3A_36 = arith.constant 0 : index
    %get3A_37 = arith.constant 0 : index
    %get3A_38 = arith.constant 0 : index
    %get3A_39 = vector.load %arg2[%get3A_36, %get3A_37, %get3A_38] : memref<1x256x512xf32, #tpu.memory_space<vmem>>, vector<1x256x512xf32>
    %get3A_40 = vector.shape_cast %get3A_39 : vector<1x256x512xf32> to vector<256x512xf32>
    %broadcast_in_dim3A = vector.shape_cast %mul3A_29 : vector<256xf32> to vector<256x1xf32>
    %mul3A_41 = vector.broadcast %broadcast_in_dim3A : vector<256x1xf32> to vector<256x512xf32>
    %mul3A_42 = arith.mulf %get3A_40, %mul3A_41 : vector<256x512xf32>
    %broadcast_in_dim3A_43 = vector.shape_cast %sub3A_35 : vector<256xf32> to vector<256x1xf32>
    %add3A_44 = vector.broadcast %broadcast_in_dim3A_43 : vector<256x1xf32> to vector<256x512xf32>
    %add3A_45 = arith.addf %mul3A_42, %add3A_44 : vector<256x512xf32>
    %max3A = arith.constant 0.000000e+00 : f32
    %max3A_46 = vector.broadcast %max3A : f32 to vector<256x512xf32>
    %max3A_47 = arith.maximumf %add3A_45, %max3A_46 : vector<256x512xf32>
    %swap3A = arith.constant 0 : index
    %swap3A_48 = arith.constant 0 : index
    %swap3A_49 = arith.constant 0 : index
    %swap3A_50 = vector.load %arg7[%swap3A, %swap3A_48, %swap3A_49] : memref<1x256x512xf32, #tpu.memory_space<vmem>>, vector<1x256x512xf32>
    %swap3A_51 = vector.shape_cast %swap3A_50 : vector<1x256x512xf32> to vector<256x512xf32>
    %swap3A_52 = vector.shape_cast %max3A_47 : vector<256x512xf32> to vector<1x256x512xf32>
    tpu.vector_store %arg7[%swap3A, %swap3A_48, %swap3A_49], %swap3A_52 {strides = array<i32>} : memref<1x256x512xf32, #tpu.memory_space<vmem>>, vector<1x256x512xf32>,
    return
  }
  func.func @transform_0(%arg0: i32, %arg1: i32) -> (i32, i32, i32) {
    %c0_i32 = arith.constant 0 : i32
    %c0_i32_0 = arith.constant 0 : i32
    return %arg0, %c0_i32, %arg1 : i32, i32, i32
  }
  func.func @transform_1(%arg0: i32, %arg1: i32) -> (i32, i32) {
    %c0_i32 = arith.constant 0 : i32
    %c0_i32_0 = arith.constant 0 : i32
    %c0_i32_1 = arith.constant 0 : i32
    return %c0_i32, %c0_i32_0 : i32, i32
  }
  func.func @transform_2(%arg0: i32, %arg1: i32) -> (i32, i32) {
    %c0_i32 = arith.constant 0 : i32
    %c0_i32_0 = arith.constant 0 : i32
    %c0_i32_1 = arith.constant 0 : i32
    return %c0_i32, %c0_i32_0 : i32, i32
  }
  func.func @transform_3(%arg0: i32, %arg1: i32) -> (i32, i32) {
    %c0_i32 = arith.constant 0 : i32
    %c0_i32_0 = arith.constant 0 : i32
    %c0_i32_1 = arith.constant 0 : i32
    return %c0_i32, %c0_i32_0 : i32, i32
  }
  func.func @transform_4(%arg0: i32, %arg1: i32) -> (i32, i32) {
    %c0_i32 = arith.constant 0 : i32
    %c0_i32_0 = arith.constant 0 : i32
    %c0_i32_1 = arith.constant 0 : i32
    return %c0_i32, %c0_i32_0 : i32, i32
  }
  func.func @transform_5(%arg0: i32, %arg1: i32) -> (i32, i32, i32) {
    %c0_i32 = arith.constant 0 : i32
    %c0_i32_0 = arith.constant 0 : i32
    return %arg0, %c0_i32, %arg1 : i32, i32, i32
  }
}

</mosaic_0001>

<sc_bundles>
// kernel: kernel.12.cloned.1.call-start
scs
__scs_entry_jumppad:
0x0: {  	(pc) =	sbr.rel $0x88, $3  }
0x1: {  	(tag) =	ssettag $0x0;
	lr =	simm.s32 $0x1  }
0x2: {  	[smem:$0x3F97] =	sst lr;
	_ =	strace $0xD0000000  }
0x3: {  	_ = 	snop  }
0x4: {  	_ = 	snop  }
0x5: {  	_ = 	snop  }
0x6: {  	_ = 	snop  }
0x7: {  	_ = 	snop  }
__scs_overlays_trampoline_lowered:
0x8: {  	[smem:$0x3FA6] =	sst s0  }
0x9: {  	[smem:$0x3FA7] =	sst s1  }
0xa: {  	[smem:$0x3FA8] =	sst s2  }
0xb: {  	[smem:$0x3FA9] =	sst s3  }
0xc: {  	[smem:$0x3FAA] =	sst s4  }
0xd: {  	[smem:$0x3FAB] =	sst s5  }
0xe: {  	[smem:$0x3FAC] =	sst s6  }
0xf: {  	[smem:$0x3FAD] =	sst s7  }
0x10: {  	[smem:$0x3FAE] =	sst s8  }
0x11: {  	[smem:$0x3FAF] =	sst s9;
	s0 =	simm.s32 @!p0 $0x0  }
0x12: {  	s1 =	sld [smem:$0x3F95];
	s0 =	simm.s32 @p0 $0x1  }
0x13: {  	[smem:$0x3FB0] =	sst s0;
	s0 =	simm.s32 @!p1 $0x0  }
0x14: {  	s2 =	sld [smem:$0x3F94];
	s0 =	simm.s32 @p1 $0x1  }
0x15: {  	[smem:$0x3FB1] =	sst s0;
	s0 =	simm.s32 @!p2 $0x0  }
0x16: {  	s3 =	sld [smem:$0x3FDB];
	s0 =	simm.s32 @p2 $0x1  }
0x17: {  	s4 =	simm.s32 $0x1BF5;
	[smem:$0x3FB3] =	sst s0  }
0x18: {  	s0 =	sld [smem:$0x3F96];
	_ =	swait.ge [sflag:s4], $0x0  }
0x19: {  	s7 =	sld [smem:$0x3F97]  }
0x1a: {  	s8 =	sadd.s32 $0xFFFFE003, lr  }
0x1b: {  	s9 =	sadd.s32 $0xFFFFFEF7, lr;
	s5 =	simm.s32 $0xFFFFFFFF;
	p2 =	slt.u32 s8, $0xFFFFF086  }
0x1c: {  	p1 =	slt.u32 s9, $0xF7A;
	s5 =	simm.s32 @!p2 $0x0  }
0x1d: {  	s5 =	simm.s32 @p1 $0x1;
	p0 =	seq.s32 s7, s2  }
0x1e: {  	s7 =	smul.u32 @!p0 $0xF7A, s2;
	p2 =	seq.s32 @!p0 s5, $0x0  }
0x1f: {  	s9 =	smul.u32 $0xF7A, s1;
	s8 =	simm.s32 @!p0 $0x1BF5;
	p2 =	por !p2, p0  }
0x20: {  	[sflag:s8] =	ssyncset.s32 @!p0 $0xFFFFF086;
	s6 =	sadd.s32 @!p0 s3, s7;
	s7 =	simm.s32 @!p0 $0x108  }
0x21: {  	s3 =	sadd.s32 s3, s9;
	s6 =	sadd.s32 @!p0 $0x88, s6;
	s7 =	simm.s32 @p2 $0x1082  }
0x22: {  	[simem:s7], [sflag:s8] =	dma.local @!p0 [hbm:s6], $0xF7A  }
0x23: {  	s9 =	sor.u32 $0xD0000000, s2;
	s6 =	simm.s32 $0x108;
	_ =	swait.ge @!p0 [sflag:s8], $0x0  }
0x24: {  	s3 =	sadd.s32 $0x88, s3;
	s6 =	simm.s32 @!p1 $0x1082;
	[sflag:s4] =	ssyncset.s32 $0xFFFFF086  }
0x25: {  	[simem:s6], [sflag:s4] =	dma.local [hbm:s3], $0xF7A  }
0x26: {  	[smem:$0x3F97] =	sst s1;
	(tag) =	ssettag s2;
	_ =	strace s9  }
0x27: {  	s1 =	sld [smem:$0x3FA7]  }
0x28: {  	s2 =	sld [smem:$0x3FA8]  }
0x29: {  	s4 =	sld [smem:$0x3FAA]  }
0x2a: {  	p0 =	seq.s32 s5, $0x0;
	s5 =	sld [smem:$0x3FAB]  }
0x2b: {  	s6 =	sld [smem:$0x3FAC]  }
0x2c: {  	s7 =	sld [smem:$0x3FAD]  }
0x2d: {  	s3 =	simm.s32 $0x108;
	s8 =	sld [smem:$0x3FAE]  }
0x2e: {  	s3 =	simm.s32 @!p0 $0x1082;
	s9 =	sld [smem:$0x3FAF]  }
0x2f: {  	lr =	sadd.s32 s0, s3;
	s0 =	sld [smem:$0x3FA6]  }
0x30: {  	s3 =	sld [smem:$0x3FA9]  }
0x31: {  	[smem:$0x3FB2] =	sst s10  }
0x32: {  	s10 =	sld [smem:$0x3FB0];
	_ =	sdelay $0x3  }
0x33: {  	p0 =	seq.s32 s10, $0x1;
	s10 =	sld [smem:$0x3FB2];
	_ =	sdelay $0x3  }
0x34: {  	[smem:$0x3FB2] =	sst s10  }
0x35: {  	s10 =	sld [smem:$0x3FB1];
	_ =	sdelay $0x3  }
0x36: {  	p1 =	seq.s32 s10, $0x1;
	s10 =	sld [smem:$0x3FB2];
	_ =	sdelay $0x3  }
0x37: {  	[smem:$0x3FB2] =	sst s10  }
0x38: {  	s10 =	sld [smem:$0x3FB3]  }
0x39: {  	_ = 	snop;
	(pc) =	sbr.ind lr, $3  }
0x3a: {  	_ = 	snop  }
0x3b: {  	_ = 	snop  }
0x3c: {  	p2 =	seq.s32 s10, $0x1;
	s10 =	sld [smem:$0x3FB2]  }
0x3d: {  	_ =	shalt  }
0x3e: {  	_ =	shalt  }
0x3f: {  	_ =	shalt  }
0x40: {  	_ =	shalt  }
0x41: {  	_ =	shalt  }
0x42: {  	_ =	shalt  }
0x43: {  	_ =	shalt  }
0x44: {  	_ =	shalt  }
0x45: {  	_ =	shalt  }
0x46: {  	_ =	shalt  }
0x47: {  	_ =	shalt  }
0x48: {  	_ =	shalt  }
0x49: {  	_ =	shalt  }
0x4a: {  	_ =	shalt  }
0x4b: {  	_ =	shalt  }
0x4c: {  	_ =	shalt  }
0x4d: {  	_ =	shalt  }
0x4e: {  	_ =	shalt  }
0x4f: {  	_ =	shalt  }
0x50: {  	_ =	shalt  }
0x51: {  	_ =	shalt  }
0x52: {  	_ =	shalt  }
0x53: {  	_ =	shalt  }
0x54: {  	_ =	shalt  }
0x55: {  	_ =	shalt  }
0x56: {  	_ =	shalt  }
0x57: {  	_ =	shalt  }
0x58: {  	_ =	shalt  }
0x59: {  	_ =	shalt  }
0x5a: {  	_ =	shalt  }
0x5b: {  	_ =	shalt  }
0x5c: {  	_ =	shalt  }
0x5d: {  	_ =	shalt  }
0x5e: {  	_ =	shalt  }
0x5f: {  	_ =	shalt  }
0x60: {  	_ =	shalt  }
0x61: {  	_ =	shalt  }
0x62: {  	_ =	shalt  }
0x63: {  	_ =	shalt  }
0x64: {  	_ =	shalt  }
0x65: {  	_ =	shalt  }
0x66: {  	_ =	shalt  }
0x67: {  	_ =	shalt  }
0x68: {  	_ =	shalt  }
0x69: {  	_ =	shalt  }
0x6a: {  	_ =	shalt  }
0x6b: {  	_ =	shalt  }
0x6c: {  	_ =	shalt  }
0x6d: {  	_ =	shalt  }
0x6e: {  	_ =	shalt  }
0x6f: {  	_ =	shalt  }
0x70: {  	_ =	shalt  }
0x71: {  	_ =	shalt  }
0x72: {  	_ =	shalt  }
0x73: {  	_ =	shalt  }
0x74: {  	_ =	shalt  }
0x75: {  	_ =	shalt  }
0x76: {  	_ =	shalt  }
0x77: {  	_ =	shalt  }
0x78: {  	_ =	shalt  }
0x79: {  	_ =	shalt  }
0x7a: {  	_ =	shalt  }
0x7b: {  	_ =	shalt  }
0x7c: {  	_ =	shalt  }
0x7d: {  	_ =	shalt  }
0x7e: {  	_ =	shalt  }
0x7f: {  	_ =	shalt  }
0x80: {  	_ =	shalt  }
0x81: {  	_ =	shalt  }
0x82: {  	_ =	shalt  }
0x83: {  	_ =	shalt  }
0x84: {  	_ =	shalt  }
0x85: {  	_ =	shalt  }
0x86: {  	_ =	shalt  }
0x87: {  	_ =	shalt  }
.Lfunc_end0:
.L_simem_size_0:
called_computation_lowered:
.L_overlay_start_0:
0x88: {  	s2 =	sld [smem:$0x3FD9]  }
0x89: {  	s3 =	sld [smem:$0x3FFE];
	_ =	sdelay $0x1  }
0x8a: {  	s1 =	srdreg.scid  }
0x8b: {  	s0 =	sand.u32 $0x1, s1  }
0x8c: {  	s16 =	sshll.u32 s0, $0xA;
	s2 =	sadd.s32 s3, s2  }
0x8d: {  	s2 =	sadd.s32 s2, s16  }
0x8e: {  	[smem:$0x3FBE] =	sst s2  }
0x8f: {  	_ = 	snop  }
0x90: {  	(tm) =	ssettm $0x1  }
0x91: {  	s17 =	sld [smem:$0x3FFB];
	_ =	sdelay $0x3  }
0x92: {  	_ =	strace s17  }
0x93: {  	s2 =	sld [smem:$0x3FFC];
	_ =	sdelay $0x3  }
0x94: {  	_ =	strace s2  }
0x95: {  	s2 =	sld [smem:$0x3FFD];
	_ =	sdelay $0x3  }
0x96: {  	_ =	strace s2  }
0x97: {  	_ =	strace $0x8FFFFFFF  }
0x98: {  	s18 =	sld [smem:$0x3FDB];
	_ =	sdelay $0x1  }
0x99: {  	s19 =	simm.s32 $_scs_section_size  }
0x9a: {  	s4 =	simm.s32 $_size__tile_overlayer_lowered;
	s5 =	simm.s32 $_tile_overlayer_lowered  }
0x9b: {  	s22 =	simm.s32 $0x1BFF;
	s21 =	sshll.u32 s5, $0x1;
	s2 =	sadd.s32 s19, s18  }
0x9c: {  	s6 =	simm.s32 $0x0;
	s20 =	sshll.u32 s4, $0x1;
	s4 =	sadd.s32 s21, s2  }
0x9d: {  	[timem:s6], [sflag:s22] =	dma.local [hbm:s4], s20  }
0x9e: {  	_ =	swait.ge [sflag:s22], s20  }
0x9f: {  	s3 =	ssub.s32 $0x0, s20;
	[sflag:s22] =	ssyncset.done $0x0  }
0xa0: {  	[sflag:s22] =	ssyncadd.s32 s3;
	_ =	sdelay $0x1  }
0xa1: {  	s23 =	simm.s32 $0x1B8B  }
0xa2: {  	_ =	swait.ge [sflag:s23], $0x1  }
0xa3: {  	[sflag:s23] =	ssyncset.done $0x0  }
0xa4: {  	s25 =	simm.s32 $0x1B8E;
	s24 =	sld [smem:$0x3FFE];
	[sflag:s23] =	ssyncadd.s32 $0xFFFFFFFF  }
0xa5: {  	s26 =	simm.s32 $execute0_lowered;
	[smem:$0x3FD2] =	sst s25  }
0xa6: {  	s4 =	sshll.u32 s26, $0x1;
	_ =	strace $0x80000046;
	[dreg:$0x1] =	wrdreg $0xFFFFFFFF  }
0xa7: {  	s28 =	simm.s32 $_size_execute0_lowered;
	s2 =	sadd.s32 s2, s4;
	[dreg:$0x0] =	wrdreg $0x0  }
0xa8: {  	s4 =	sshll.u32 s28, $0x1;
	[dreg:$0x2] =	wrdreg s2  }
0xa9: {  	[dreg:$0x3] =	wrdreg s4  }
0xaa: {  	[dreg:$0x4] =	wrdreg $0xC0  }
0xab: {  	_ =	task [dreg:s6], $0x5FFFF  }
0xac: {  	[dreg:$0x1] =	wrdreg $0xFFFFFFFF  }
0xad: {  	[dreg:$0x0] =	wrdreg $0x60  }
0xae: {  	[dreg:$0x2] =	wrdreg s24  }
0xaf: {  	[dreg:$0x3] =	wrdreg $0x9  }
0xb0: {  	_ =	task.clear_ibuf [dreg:s6], $0x4FFFF;
	_ =	strace $0x90000046  }
0xb1: {  	s29 =	simm.s32 $0x9;
	_ =	strace $0x80000048  }
0xb2: {  	_ =	swait.ge [sflag:s29], $0x1  }
0xb3: {  	[sflag:s29] =	ssyncadd.s32 $0xFFFFFFFF  }
0xb4: {  	_ =	strace $0x90000048  }
0xb5: {  	_ =	sfence  }
0xb6: {  	s30 =	sld [smem:$0x0];
	_ =	sdelay $0x2  }
0xb7: {  	s31 =	sshll.u32 s1, $0xD;
	s1 =	sshrl.u32 s1, $0x2  }
0xb8: {  	s3 =	sand.u32 $0x4000, s31;
	s1 =	sadd.s32 s1, s30  }
0xb9: {  	s0 =	sor.u32 s3, s0;
	s1 =	sshll.u32 s1, $0x11  }
0xba: {  	s0 =	sor.u32 s1, s0  }
0xbb: {  	s0 =	sadd.s32 $0x8F2B, s0  }
0xbc: {  	[sflag:s0] =	ssyncadd.remote.s32 $0x1  }
0xbd: {  	_ =	sfence.sel $0xFFFF  }
0xbe: {  	[dreg:$0x0] =	wrdreg $0xFFFFFFFF;
	(pc) =	sbr.abs _section_cstart, $3  }
0xbf: {  	[dreg:$0x1] =	wrdreg $0xFFFFFFFF  }
0xc0: {  	_ =	task.clear_ibuf [dreg:s6], $0x2FFFF;
	_ =	strace $0x9FFFFFFF  }
0xc1: {  	(tm) =	ssettm $0x7FFFFFFF  }
tec
execute0_lowered:
.L_overlay_start_1:
0x0: {  	(tag) =	ssettag $0x1  }
0x1: {  	s0 =	rddreg [dreg:$0x0];
	s1 =	simm.s32 $0x0  }
0x2: {  	s30 =	srdreg.scid;
	s6 =	stileid.u32;
	s9 =	simm.s32 $0x2  }
0x3: {  	s10 =	simm.s32 $0x8080;
	s16 =	simm.s32 $0x2880;
	s17 =	simm.s32 $0x3080  }
0x4: {  	s18 =	simm.s32 $0x3880;
	s19 =	simm.s32 $0x4080;
	s20 =	simm.s32 $0x4880  }
0x5: {  	s21 =	simm.s32 $0x5080;
	s22 =	simm.s32 $0x5880;
	s23 =	simm.s32 $0x1  }
0x6: {  	s24 =	simm.s32 $0x6080;
	[smem:$0x7FF] =	sst s1;
	s1 =	sand.u32 $0x1, s30  }
0x7: {  	s29 =	simm.s32 $0x0;
	s3 =	sadd.s32 $0x2800, s0;
	s2 =	ssub.s32 $0x2, s1  }
0x8: {  	s4 =	sadd.s32 $0x82800, s0;
	s5 =	sadd.s32 $0x85800, s0;
	s7 =	sshrl.u32 s2, $0x1  }
0x9: {  	v2 =	vlaneseq.u32;
	s8 =	sshll.u32 s6, $0xB;
	s6 =	sadd.s32 $0x182800, s0;
	s31 =	ssub.s32 s2, s7  }
0xa: {  	vm0 =	vmmov $0xffff;
	v1 =	vshrl.u32 v2, $0x3;
	_ =	strace $0x80000047;
	s1 =	sshll.u32 s1, $0xA;
	s0 =	smax.u32 s31, $0x1  }
0xb: {  	v0 =	vand.u32 $0x7, v2;
	v2 =	vor.u32 $0x8, v2;
	v1 =	vmul.u32 $0x8, v1;
	s7 =	sor.u32 s1, s8;
	s1 =	simm.s32 $0x0;
	[dreg:$0x2] =	wrdreg s0  }
.LBB2_1:
0xc: {  	[dreg:$0x3] =	wrdreg s1;
	s26 =	simm.s32 $0x0  }
.LBB2_2:
0xd: {  	s0 =	sshll.u32 s26, $0x5  }
0xe: {  	s28 =	sadd.s32 s7, s0  }
0xf: {  	s0 =	smul.u32 $0x3, s28;
	_ =	sdelay $0x1  }
0x10: {  	s0 =	sshrl.u32 s0, $0x3  }
0x11: {  	s1 =	sadd.s32 s4, s0  }
0x12: {  	[tilespmem:s29], [sflag:$0x2] =	stream.linear.gather [hbm4b:s1+s29], $0x60, $0x38;
	[tilespmem:$0x8100] =	vst v63  }
0x13: {  	_ =	swait.ge [sflag:s9], $0x60  }
0x14: {  	[sflag:s9] =	ssyncset.done $0x0  }
0x15: {  	s0 =	sadd.s32 s5, s0;
	[sflag:s9] =	ssyncadd.s32 $0xFFFFFFA0  }
0x16: {  	[tilespmem:s10], [sflag:$0x2] =	stream.linear.gather [hbm4b:s0+s29], $0x60, $0x38;
	[tilespmem:$0x8100] =	vst v63  }
0x17: {  	_ =	swait.ge [sflag:s9], $0x60  }
0x18: {  	[sflag:s9] =	ssyncset.done $0x0  }
0x19: {  	[sflag:s9] =	ssyncadd.s32 $0xFFFFFFA0  }
0x1a: {  	v3 =	vld [tilespmem:$0x0];
	_ =	sdelay $0x4  }
0x1b: {  	v4 =	vshll.u32 v3, $0x1  }
0x1c: {  	v3 =	vand.u32 $0x7, v3;
	v4 =	vand.u32 $0xFFFFFFF0, v4  }
0x1d: {  	v3 =	vor.u32 v3, v4  }
0x1e: {  	v4 =	vperm.xlane v3, v0;
	_ =	sdelay $0x1  }
0x1f: {  	v3 =	vperm.xlane v3, v2;
	v4 =	vadd.s32 v1, v4;
	_ =	sdelay $0x1  }
0x20: {  	v3 =	vadd.s32 v1, v3;
	_ =	sdelay $0x1  }
0x21: {  	s13 =	simm.s32 $0x80  }
0x22: {  	[tilespmem:s13], [sflag:$0x1] =	stream.indirect_vreg.gather [hbm4b:s3+s29], $0x80, v4, vm0, $0xb8;
	[tilespmem:$0x8100] =	vst v63  }
0x23: {  	s14 =	simm.s32 $0x880  }
0x24: {  	[tilespmem:s14], [sflag:$0x1] =	stream.indirect_vreg.gather [hbm4b:s3+s29], $0x80, v3, vm0, $0xb8;
	[tilespmem:$0x8100] =	vst v63  }
0x25: {  	v3 =	vld [tilespmem:$0x10];
	_ =	sdelay $0x4  }
0x26: {  	v59 =	vshll.u32 v3, $0x1  }
0x27: {  	v3 =	vand.u32 $0x7, v3;
	v4 =	vand.u32 $0xFFFFFFF0, v59  }
0x28: {  	v3 =	vor.u32 v3, v4  }
0x29: {  	v4 =	vperm.xlane v3, v0;
	_ =	sdelay $0x1  }
0x2a: {  	v3 =	vperm.xlane v3, v2;
	v4 =	vadd.s32 v1, v4;
	_ =	sdelay $0x1  }
0x2b: {  	v3 =	vadd.s32 v1, v3;
	_ =	sdelay $0x1  }
0x2c: {  	s15 =	simm.s32 $0x1080  }
0x2d: {  	[tilespmem:s15], [sflag:$0x1] =	stream.indirect_vreg.gather [hbm4b:s3+s29], $0x80, v4, vm0, $0xb8;
	[tilespmem:$0x8100] =	vst v63  }
0x2e: {  	s25 =	simm.s32 $0x1880  }
0x2f: {  	[tilespmem:s25], [sflag:$0x1] =	stream.indirect_vreg.gather [hbm4b:s3+s29], $0x80, v3, vm0, $0xb8;
	[tilespmem:$0x8100] =	vst v63  }
0x30: {  	v3 =	vld [tilespmem:$0x20];
	_ =	sdelay $0x4  }
0x31: {  	v60 =	vshll.u32 v3, $0x1  }
0x32: {  	v3 =	vand.u32 $0x7, v3;
	v4 =	vand.u32 $0xFFFFFFF0, v60  }
0x33: {  	v3 =	vor.u32 v3, v4  }
0x34: {  	v4 =	vperm.xlane v3, v0;
	_ =	sdelay $0x1  }
0x35: {  	v3 =	vperm.xlane v3, v2;
	v4 =	vadd.s32 v1, v4;
	_ =	sdelay $0x1  }
0x36: {  	v3 =	vadd.s32 v1, v3;
	_ =	sdelay $0x1  }
0x37: {  	s31 =	simm.s32 $0x2080  }
0x38: {  	[tilespmem:s31], [sflag:$0x1] =	stream.indirect_vreg.gather [hbm4b:s3+s29], $0x80, v4, vm0, $0xb8;
	[tilespmem:$0x8100] =	vst v63  }
0x39: {  	_ = 	snop  }
0x3a: {  	[tilespmem:s16], [sflag:$0x1] =	stream.indirect_vreg.gather [hbm4b:s3+s29], $0x80, v3, vm0, $0xb8;
	[tilespmem:$0x8100] =	vst v63  }
0x3b: {  	v3 =	vld [tilespmem:$0x30];
	_ =	sdelay $0x4  }
0x3c: {  	v61 =	vshll.u32 v3, $0x1  }
0x3d: {  	v3 =	vand.u32 $0x7, v3;
	v4 =	vand.u32 $0xFFFFFFF0, v61  }
0x3e: {  	v3 =	vor.u32 v3, v4  }
0x3f: {  	v4 =	vperm.xlane v3, v0;
	_ =	sdelay $0x1  }
0x40: {  	v3 =	vperm.xlane v3, v2;
	v4 =	vadd.s32 v1, v4;
	_ =	sdelay $0x1  }
0x41: {  	v3 =	vadd.s32 v1, v3;
	_ =	sdelay $0x2  }
0x42: {  	[tilespmem:s17], [sflag:$0x1] =	stream.indirect_vreg.gather [hbm4b:s3+s29], $0x80, v4, vm0, $0xb8;
	[tilespmem:$0x8100] =	vst v63  }
0x43: {  	_ = 	snop  }
0x44: {  	[tilespmem:s18], [sflag:$0x1] =	stream.indirect_vreg.gather [hbm4b:s3+s29], $0x80, v3, vm0, $0xb8;
	[tilespmem:$0x8100] =	vst v63  }
0x45: {  	v3 =	vld [tilespmem:$0x40];
	_ =	sdelay $0x4  }
0x46: {  	v62 =	vshll.u32 v3, $0x1  }
0x47: {  	v3 =	vand.u32 $0x7, v3;
	v4 =	vand.u32 $0xFFFFFFF0, v62  }
0x48: {  	v3 =	vor.u32 v3, v4  }
0x49: {  	v4 =	vperm.xlane v3, v0;
	_ =	sdelay $0x1  }
0x4a: {  	v3 =	vperm.xlane v3, v2;
	v4 =	vadd.s32 v1, v4;
	_ =	sdelay $0x1  }
0x4b: {  	v3 =	vadd.s32 v1, v3;
	_ =	sdelay $0x2  }
0x4c: {  	[tilespmem:s19], [sflag:$0x1] =	stream.indirect_vreg.gather [hbm4b:s3+s29], $0x80, v4, vm0, $0xb8;
	[tilespmem:$0x8100] =	vst v63  }
0x4d: {  	_ = 	snop  }
0x4e: {  	[tilespmem:s20], [sflag:$0x1] =	stream.indirect_vreg.gather [hbm4b:s3+s29], $0x80, v3, vm0, $0xb8;
	[tilespmem:$0x8100] =	vst v63  }
0x4f: {  	v3 =	vld [tilespmem:$0x50];
	_ =	sdelay $0x4  }
0x50: {  	v63 =	vshll.u32 v3, $0x1  }
0x51: {  	v3 =	vand.u32 $0x7, v3;
	v4 =	vand.u32 $0xFFFFFFF0, v63  }
0x52: {  	v3 =	vor.u32 v3, v4  }
0x53: {  	v4 =	vperm.xlane v3, v0;
	_ =	sdelay $0x1  }
0x54: {  	v3 =	vperm.xlane v3, v2;
	v4 =	vadd.s32 v1, v4;
	_ =	sdelay $0x1  }
0x55: {  	v3 =	vadd.s32 v1, v3;
	_ =	sdelay $0x2  }
0x56: {  	[tilespmem:s21], [sflag:$0x1] =	stream.indirect_vreg.gather [hbm4b:s3+s29], $0x80, v4, vm0, $0xb8;
	[tilespmem:$0x8100] =	vst v63  }
0x57: {  	_ = 	snop  }
0x58: {  	[tilespmem:s22], [sflag:$0x1] =	stream.indirect_vreg.gather [hbm4b:s3+s29], $0x80, v3, vm0, $0xb8;
	[tilespmem:$0x8100] =	vst v63  }
0x59: {  	_ =	swait.ge [sflag:s23], $0x6000  }
0x5a: {  	[sflag:s23] =	ssyncset.done $0x0  }
0x5b: {  	s30 =	simm.s32 $0x0;
	[sflag:s23] =	ssyncadd.s32 $0xFFFFA000  }
.LBB2_3:
0x5c: {  	s0 =	smul.u32 $0x3, s30  }
0x5d: {  	s1 =	smul.u32 $0x300, s30  }
0x5e: {  	s8 =	smul.u32 $0x180, s30  }
0x5f: {  	s2 =	sadd.s32 $0x1, s0  }
0x60: {  	v3 =	vmov s0;
	s1 =	sand.u32 $0x7800, s1;
	s13 =	sand.u32 $0x380, s8;
	s25 =	sadd.s32 $0x2, s0  }
0x61: {  	s11 =	sshll.u32 s2, $0x8;
	s12 =	sshll.u32 s2, $0x7;
	v4 =	vmov s2;
	s2 =	sor.u32 s13, s1  }
0x62: {  	s13 =	sshll.u32 s25, $0x8;
	s14 =	sand.u32 $0xF800, s11;
	s15 =	sand.u32 $0x380, s12  }
0x63: {  	s0 =	sadd.s32 $0x80, s2;
	s1 =	sand.u32 $0xF800, s13;
	s12 =	sand.u32 $0x400, s29  }
0x64: {  	v5 =	vmov s25;
	s11 =	sor.u32 s15, s14;
	s14 =	sshll.u32 s25, $0x7;
	s15 =	sadd.s32 s12, s0  }
0x65: {  	s31 =	sadd.s32 $0x80, s11;
	s2 =	sand.u32 $0x380, s14;
	s14 =	sand.u32 $0x70, s29;
	v3 =	vld.idx.msk [tilespmem:v3+s10+$0x0], $0xffff  }
0x66: {  	s1 =	sor.u32 s2, s1;
	s8 =	sadd.s32 s14, s15;
	s25 =	sadd.s32 s12, s31;
	v4 =	vld.idx.msk [tilespmem:v4+s10+$0x0], $0xffff  }
0x67: {  	s2 =	sadd.s32 $0x80, s1;
	v6 =	vld [tilespmem:s8+$0x0];
	s8 =	sadd.s32 s14, s25  }
0x68: {  	v7 =	vld [tilespmem:s8+$0x0];
	s11 =	sadd.s32 s12, s2  }
0x69: {  	v5 =	vld.idx.msk [tilespmem:v5+s10+$0x0], $0xffff;
	s1 =	sadd.s32 s14, s11  }
0x6a: {  	v8 =	vld [tilespmem:s1+$0x0];
	_ =	sdelay $0x2  }
0x6b: {  	s13 =	sshll.u32 s30, $0x8;
	s15 =	sshll.u32 s30, $0x7;
	v6 =	vmul.f32 v6, v3;
	v7 =	vmul.f32 v7, v4  }
0x6c: {  	s8 =	sand.u32 $0x380, s15;
	s1 =	sand.u32 $0x1800, s13  }
0x6d: {  	s1 =	sor.u32 s8, s1;
	v6 =	vadd.f32 v7, v6;
	v7 =	vmul.f32 v8, v5  }
0x6e: {  	s25 =	simm.s32 $0x10;
	s8 =	sadd.s32 $0x6080, s1;
	s1 =	simm.s32 $0x80  }
0x6f: {  	s11 =	sand.u32 $0x70, s25;
	s25 =	sand.u32 $0x400, s1;
	s15 =	sadd.s32 s12, s8;
	v6 =	vadd.f32 v7, v6  }
0x70: {  	s12 =	simm.s32 $0x20;
	s13 =	sadd.s32 s25, s0;
	s14 =	sadd.s32 s14, s15  }
.LBB2_4:
0x71: {  	p0 =	sne.s32 s12, $0xF0;
	s13 =	sadd.s32 s11, s13;
	s15 =	sadd.s32 s25, s31;
	[tilespmem:s14+$0x0] =	vst v6  }
0x72: {  	s14 =	smov.u32 s11;
	v6 =	vld [tilespmem:s13+$0x0];
	s13 =	sadd.s32 s11, s15  }
0x73: {  	s11 =	sadd.s32 s25, s2;
	v7 =	vld [tilespmem:s13+$0x0]  }
0x74: {  	s11 =	sadd.s32 s14, s11  }
0x75: {  	v8 =	vld [tilespmem:s11+$0x0];
	_ =	sdelay $0x2  }
0x76: {  	v6 =	vmul.f32 v6, v3;
	v7 =	vmul.f32 v7, v4  }
.Ltmp0:
0x77: {  	(pc) =	sbr.rel @p0 .LBB2_4-.Ltmp0, $4  }
0x78: {  	v6 =	vadd.f32 v7, v6;
	v7 =	vmul.f32 v8, v5  }
0x79: {  	s1 =	sadd.s32 $0x80, s1  }
0x7a: {  	s15 =	sadd.s32 s25, s8;
	s25 =	sand.u32 $0x400, s1;
	s11 =	sand.u32 $0x70, s12;
	v6 =	vadd.f32 v7, v6  }
0x7b: {  	s13 =	sadd.s32 s25, s0;
	s14 =	sadd.s32 s14, s15;
	s12 =	sadd.s32 $0x10, s12  }
0x7c: {  	s0 =	sadd.s32 s11, s13;
	s1 =	sadd.s32 s25, s31;
	[tilespmem:s14+$0x0] =	vst v6  }
0x7d: {  	v6 =	vld [tilespmem:s0+$0x0];
	s14 =	sadd.s32 s11, s1  }
0x7e: {  	s15 =	sadd.s32 s25, s2;
	v7 =	vld [tilespmem:s14+$0x0]  }
0x7f: {  	s0 =	sadd.s32 s11, s15  }
0x80: {  	v8 =	vld [tilespmem:s0+$0x0];
	_ =	sdelay $0x2  }
0x81: {  	s30 =	sadd.s32 $0x1, s30;
	v3 =	vmul.f32 v6, v3;
	v4 =	vmul.f32 v7, v4  }
0x82: {  	p0 =	sne.s32 s30, $0x20  }
.Ltmp1:
0x83: {  	v63 =	vmul.f32 v8, v5;
	v3 =	vadd.f32 v4, v3;
	(pc) =	sbr.rel @p0 .LBB2_3-.Ltmp1, $4  }
0x84: {  	_ = 	snop  }
0x85: {  	s31 =	sadd.s32 s25, s8;
	v3 =	vadd.f32 v63, v3  }
0x86: {  	s0 =	sadd.s32 s11, s31  }
0x87: {  	[tilespmem:s0+$0x0] =	vst v3  }
0x88: {  	s26 =	sadd.s32 $0x1, s26  }
0x89: {  	s0 =	sshll.u32 s28, $0x5;
	p0 =	sne.s32 s26, $0x20  }
.Ltmp2:
0x8a: {  	s1 =	simm.s32 $0x0;
	s0 =	sadd.s32 s6, s0;
	(pc) =	sbr.rel @p0 .LBB2_2-.Ltmp2, $4  }
0x8b: {  	[hbm4b:s0+s1] =	stream.linear.scatter [tilespmem:s24], [sflag:$0x2], $0x2000, $0x38;
	[tilespmem:$0x8100] =	vst v63  }
0x8c: {  	_ =	swait.ge [sflag:s9], $0x2000  }
0x8d: {  	[sflag:s9] =	ssyncset.done $0x0  }
0x8e: {  	[sflag:s9] =	ssyncadd.s32 $0xFFFFE000  }
0x8f: {  	s1 =	rddreg [dreg:$0x3]  }
0x90: {  	s0 =	rddreg [dreg:$0x2];
	s1 =	sadd.s32 $0x1, s1  }
0x91: {  	p0 =	sne.s32 s1, s0  }
.Ltmp3:
0x92: {  	_ = 	snop;
	(pc) =	sbr.rel @p0 .LBB2_1-.Ltmp3, $1  }
0x93: {  	_ =	sdelay $0x3  }
0x94: {  	_ =	sfence.sel $0x180000  }
0x95: {  	[bflag:$0x0] =	sbarrier.arrive $0xFFFF  }
0x96: {  	_ =	strace $0x90000047  }
0x97: {  	s0 =	stileid.u32;
	[bflag:$0x2] =	sbarrier.arrive $0xFFFF  }
0x98: {  	p0 =	sne.s32 s0, $0x0;
	s0 =	rddreg [dreg:$0x1]  }
0x99: {  	s0 =	sadd.s32 @!p0 $0x100000, s0  }
0x9a: {  	[sflag:s0] =	ssyncadd.tile.s32 @!p0 $0x1;
	_ =	shalt  }
.Lfunc_end2:
_tile_overlayer_lowered:
.L_overlay_start_2:
0x9b: {  	(tag) =	ssettag $0x2  }
0x9c: {  	s0 =	rddreg [dreg:$0x0];
	s2 =	stileid.u32  }
0x9d: {  	s1 =	rddreg [dreg:$0x1];
	p0 =	sne.s32 s2, $0x0  }
0x9e: {  	s3 =	rddreg [dreg:$0x2];
	[bflag:$0x3] =	sbarrier.arrive $0xFFFF;
	s2 =	simm.s32 @!p0 $0x1C02  }
0x9f: {  	[timem:s3], [sflag:s2] =	dma.local @!p0 [hbm:s0], s1  }
0xa0: {  	s0 =	simm.s32 @!p0 $0x2  }
0xa1: {  	_ =	swait.ge @!p0 [sflag:s0], s1  }
0xa2: {  	s1 =	ssub.s32 @!p0 $0x0, s1;
	[sflag:s0] =	ssyncset.done @!p0 $0x0  }
0xa3: {  	[sflag:s0] =	ssyncadd.s32 @!p0 s1  }
0xa4: {  	[bflag:$0x3] =	sbarrier.arrive $0xFFFF  }
0xa5: {  	_ =	shalt  }

// kernel: kernel.15.cloned.1.call-start
scs
__scs_entry_jumppad:
0x0: {  	(pc) =	sbr.rel $0x88, $3  }
0x1: {  	(tag) =	ssettag $0x0;
	lr =	simm.s32 $0x1  }
0x2: {  	[smem:$0x3F97] =	sst lr;
	_ =	strace $0xD0000000  }
0x3: {  	_ = 	snop  }
0x4: {  	_ = 	snop  }
0x5: {  	_ = 	snop  }
0x6: {  	_ = 	snop  }
0x7: {  	_ = 	snop  }
__scs_overlays_trampoline_lowered:
0x8: {  	[smem:$0x3FA6] =	sst s0  }
0x9: {  	[smem:$0x3FA7] =	sst s1  }
0xa: {  	[smem:$0x3FA8] =	sst s2  }
0xb: {  	[smem:$0x3FA9] =	sst s3  }
0xc: {  	[smem:$0x3FAA] =	sst s4  }
0xd: {  	[smem:$0x3FAB] =	sst s5  }
0xe: {  	[smem:$0x3FAC] =	sst s6  }
0xf: {  	[smem:$0x3FAD] =	sst s7  }
0x10: {  	[smem:$0x3FAE] =	sst s8  }
0x11: {  	[smem:$0x3FAF] =	sst s9;
	s0 =	simm.s32 @!p0 $0x0  }
0x12: {  	s1 =	sld [smem:$0x3F95];
	s0 =	simm.s32 @p0 $0x1  }
0x13: {  	[smem:$0x3FB0] =	sst s0;
	s0 =	simm.s32 @!p1 $0x0  }
0x14: {  	s2 =	sld [smem:$0x3F94];
	s0 =	simm.s32 @p1 $0x1  }
0x15: {  	[smem:$0x3FB1] =	sst s0;
	s0 =	simm.s32 @!p2 $0x0  }
0x16: {  	s3 =	sld [smem:$0x3FDB];
	s0 =	simm.s32 @p2 $0x1  }
0x17: {  	s4 =	simm.s32 $0x1BF5;
	[smem:$0x3FB3] =	sst s0  }
0x18: {  	s0 =	sld [smem:$0x3F96];
	_ =	swait.ge [sflag:s4], $0x0  }
0x19: {  	s7 =	sld [smem:$0x3F97]  }
0x1a: {  	s8 =	sadd.s32 $0xFFFFE003, lr  }
0x1b: {  	s9 =	sadd.s32 $0xFFFFFEF7, lr;
	s5 =	simm.s32 $0xFFFFFFFF;
	p2 =	slt.u32 s8, $0xFFFFF086  }
0x1c: {  	p1 =	slt.u32 s9, $0xF7A;
	s5 =	simm.s32 @!p2 $0x0  }
0x1d: {  	s5 =	simm.s32 @p1 $0x1;
	p0 =	seq.s32 s7, s2  }
0x1e: {  	s7 =	smul.u32 @!p0 $0xF7A, s2;
	p2 =	seq.s32 @!p0 s5, $0x0  }
0x1f: {  	s9 =	smul.u32 $0xF7A, s1;
	s8 =	simm.s32 @!p0 $0x1BF5;
	p2 =	por !p2, p0  }
0x20: {  	[sflag:s8] =	ssyncset.s32 @!p0 $0xFFFFF086;
	s6 =	sadd.s32 @!p0 s3, s7;
	s7 =	simm.s32 @!p0 $0x108  }
0x21: {  	s3 =	sadd.s32 s3, s9;
	s6 =	sadd.s32 @!p0 $0x88, s6;
	s7 =	simm.s32 @p2 $0x1082  }
0x22: {  	[simem:s7], [sflag:s8] =	dma.local @!p0 [hbm:s6], $0xF7A  }
0x23: {  	s9 =	sor.u32 $0xD0000000, s2;
	s6 =	simm.s32 $0x108;
	_ =	swait.ge @!p0 [sflag:s8], $0x0  }
0x24: {  	s3 =	sadd.s32 $0x88, s3;
	s6 =	simm.s32 @!p1 $0x1082;
	[sflag:s4] =	ssyncset.s32 $0xFFFFF086  }
0x25: {  	[simem:s6], [sflag:s4] =	dma.local [hbm:s3], $0xF7A  }
0x26: {  	[smem:$0x3F97] =	sst s1;
	(tag) =	ssettag s2;
	_ =	strace s9  }
0x27: {  	s1 =	sld [smem:$0x3FA7]  }
0x28: {  	s2 =	sld [smem:$0x3FA8]  }
0x29: {  	s4 =	sld [smem:$0x3FAA]  }
0x2a: {  	p0 =	seq.s32 s5, $0x0;
	s5 =	sld [smem:$0x3FAB]  }
0x2b: {  	s6 =	sld [smem:$0x3FAC]  }
0x2c: {  	s7 =	sld [smem:$0x3FAD]  }
0x2d: {  	s3 =	simm.s32 $0x108;
	s8 =	sld [smem:$0x3FAE]  }
0x2e: {  	s3 =	simm.s32 @!p0 $0x1082;
	s9 =	sld [smem:$0x3FAF]  }
0x2f: {  	lr =	sadd.s32 s0, s3;
	s0 =	sld [smem:$0x3FA6]  }
0x30: {  	s3 =	sld [smem:$0x3FA9]  }
0x31: {  	[smem:$0x3FB2] =	sst s10  }
0x32: {  	s10 =	sld [smem:$0x3FB0];
	_ =	sdelay $0x3  }
0x33: {  	p0 =	seq.s32 s10, $0x1;
	s10 =	sld [smem:$0x3FB2];
	_ =	sdelay $0x3  }
0x34: {  	[smem:$0x3FB2] =	sst s10  }
0x35: {  	s10 =	sld [smem:$0x3FB1];
	_ =	sdelay $0x3  }
0x36: {  	p1 =	seq.s32 s10, $0x1;
	s10 =	sld [smem:$0x3FB2];
	_ =	sdelay $0x3  }
0x37: {  	[smem:$0x3FB2] =	sst s10  }
0x38: {  	s10 =	sld [smem:$0x3FB3]  }
0x39: {  	_ = 	snop;
	(pc) =	sbr.ind lr, $3  }
0x3a: {  	_ = 	snop  }
0x3b: {  	_ = 	snop  }
0x3c: {  	p2 =	seq.s32 s10, $0x1;
	s10 =	sld [smem:$0x3FB2]  }
0x3d: {  	_ =	shalt  }
0x3e: {  	_ =	shalt  }
0x3f: {  	_ =	shalt  }
0x40: {  	_ =	shalt  }
0x41: {  	_ =	shalt  }
0x42: {  	_ =	shalt  }
0x43: {  	_ =	shalt  }
0x44: {  	_ =	shalt  }
0x45: {  	_ =	shalt  }
0x46: {  	_ =	shalt  }
0x47: {  	_ =	shalt  }
0x48: {  	_ =	shalt  }
0x49: {  	_ =	shalt  }
0x4a: {  	_ =	shalt  }
0x4b: {  	_ =	shalt  }
0x4c: {  	_ =	shalt  }
0x4d: {  	_ =	shalt  }
0x4e: {  	_ =	shalt  }
0x4f: {  	_ =	shalt  }
0x50: {  	_ =	shalt  }
0x51: {  	_ =	shalt  }
0x52: {  	_ =	shalt  }
0x53: {  	_ =	shalt  }
0x54: {  	_ =	shalt  }
0x55: {  	_ =	shalt  }
0x56: {  	_ =	shalt  }
0x57: {  	_ =	shalt  }
0x58: {  	_ =	shalt  }
0x59: {  	_ =	shalt  }
0x5a: {  	_ =	shalt  }
0x5b: {  	_ =	shalt  }
0x5c: {  	_ =	shalt  }
0x5d: {  	_ =	shalt  }
0x5e: {  	_ =	shalt  }
0x5f: {  	_ =	shalt  }
0x60: {  	_ =	shalt  }
0x61: {  	_ =	shalt  }
0x62: {  	_ =	shalt  }
0x63: {  	_ =	shalt  }
0x64: {  	_ =	shalt  }
0x65: {  	_ =	shalt  }
0x66: {  	_ =	shalt  }
0x67: {  	_ =	shalt  }
0x68: {  	_ =	shalt  }
0x69: {  	_ =	shalt  }
0x6a: {  	_ =	shalt  }
0x6b: {  	_ =	shalt  }
0x6c: {  	_ =	shalt  }
0x6d: {  	_ =	shalt  }
0x6e: {  	_ =	shalt  }
0x6f: {  	_ =	shalt  }
0x70: {  	_ =	shalt  }
0x71: {  	_ =	shalt  }
0x72: {  	_ =	shalt  }
0x73: {  	_ =	shalt  }
0x74: {  	_ =	shalt  }
0x75: {  	_ =	shalt  }
0x76: {  	_ =	shalt  }
0x77: {  	_ =	shalt  }
0x78: {  	_ =	shalt  }
0x79: {  	_ =	shalt  }
0x7a: {  	_ =	shalt  }
0x7b: {  	_ =	shalt  }
0x7c: {  	_ =	shalt  }
0x7d: {  	_ =	shalt  }
0x7e: {  	_ =	shalt  }
0x7f: {  	_ =	shalt  }
0x80: {  	_ =	shalt  }
0x81: {  	_ =	shalt  }
0x82: {  	_ =	shalt  }
0x83: {  	_ =	shalt  }
0x84: {  	_ =	shalt  }
0x85: {  	_ =	shalt  }
0x86: {  	_ =	shalt  }
0x87: {  	_ =	shalt  }
.Lfunc_end0:
.L_simem_size_0:
called_computation.1_lowered:
.L_overlay_start_0:
0x88: {  	s2 =	sld [smem:$0x3FD9]  }
0x89: {  	s3 =	sld [smem:$0x3FFE];
	_ =	sdelay $0x1  }
0x8a: {  	s1 =	srdreg.scid  }
0x8b: {  	s0 =	sand.u32 $0x1, s1  }
0x8c: {  	s17 =	sshll.u32 s0, $0xA;
	s2 =	sadd.s32 s3, s2  }
0x8d: {  	s2 =	sadd.s32 s2, s17  }
0x8e: {  	[smem:$0x3FBE] =	sst s2  }
0x8f: {  	_ = 	snop  }
0x90: {  	(tm) =	ssettm $0x1  }
0x91: {  	s18 =	sld [smem:$0x3FFB];
	_ =	sdelay $0x3  }
0x92: {  	_ =	strace s18  }
0x93: {  	s2 =	sld [smem:$0x3FFC];
	_ =	sdelay $0x3  }
0x94: {  	_ =	strace s2  }
0x95: {  	s2 =	sld [smem:$0x3FFD];
	_ =	sdelay $0x3  }
0x96: {  	_ =	strace s2  }
0x97: {  	_ =	strace $0x8FFFFFFF  }
0x98: {  	s19 =	sld [smem:$0x3FDB];
	_ =	sdelay $0x1  }
0x99: {  	s20 =	simm.s32 $_scs_section_size  }
0x9a: {  	s4 =	simm.s32 $_size__tile_overlayer_lowered;
	s5 =	simm.s32 $_tile_overlayer_lowered  }
0x9b: {  	s6 =	simm.s32 $0x1BFF;
	s21 =	sshll.u32 s5, $0x1;
	s3 =	sadd.s32 s20, s19  }
0x9c: {  	s22 =	simm.s32 $0x0;
	s4 =	sshll.u32 s4, $0x1;
	s5 =	sadd.s32 s21, s3  }
0x9d: {  	[timem:s22], [sflag:s6] =	dma.local [hbm:s5], s4  }
0x9e: {  	_ =	swait.ge [sflag:s6], s4  }
0x9f: {  	s4 =	ssub.s32 $0x0, s4;
	[sflag:s6] =	ssyncset.done $0x0  }
0xa0: {  	[sflag:s6] =	ssyncadd.s32 s4;
	_ =	sdelay $0x1  }
0xa1: {  	s23 =	simm.s32 $0x1B8B  }
0xa2: {  	_ =	swait.ge [sflag:s23], $0x1  }
0xa3: {  	[sflag:s23] =	ssyncset.done $0x0  }
0xa4: {  	[sflag:s23] =	ssyncadd.s32 $0xFFFFFFFF  }
0xa5: {  	s4 =	sld [smem:$0x0]  }
0xa6: {  	s5 =	sand.u32 $0xFFFFFFFE, s1  }
0xa7: {  	p0 =	sne.s32 s1, s5  }
0xa8: {  	s5 =	sshll.u32 @p0 s5, $0xE  }
0xa9: {  	s5 =	sadd.s32 @p0 $0x11B8D, s5;
	s6 =	sshll.u32 @p0 s4, $0x11  }
0xaa: {  	s5 =	sor.u32 @p0 s6, s5  }
0xab: {  	[sflag:s5] =	ssyncadd.remote.s32 @p0 $0x1;
	_ =	sdelay $0x1  }
0xac: {  	s5 =	simm.s32 @p0 $0x1B8D  }
0xad: {  	_ =	swait.eq @p0 [sflag:s5], $0x1  }
0xae: {  	[sflag:s5] =	ssyncadd.s32 @p0 $0xFFFFFFFF  }
0xaf: {  	s6 =	sshll.u32 @!p0 s1, $0xE  }
0xb0: {  	s6 =	sor.u32 @!p0 $0x4000, s6;
	s5 =	simm.s32 @!p0 $0x1B8D  }
0xb1: {  	s4 =	sshll.u32 @!p0 s4, $0x11;
	s6 =	sadd.s32 @!p0 $0x11B8D, s6;
	_ =	swait.eq @!p0 [sflag:s5], $0x1  }
0xb2: {  	s4 =	sor.u32 @!p0 s4, s6;
	[sflag:s5] =	ssyncadd.s32 @!p0 $0xFFFFFFFF  }
0xb3: {  	s25 =	simm.s32 $0x1B8E;
	s24 =	sld [smem:$0x3FFE];
	[sflag:s4] =	ssyncadd.remote.s32 @!p0 $0x1  }
0xb4: {  	s26 =	simm.s32 $execute0_lowered;
	[smem:$0x3FD2] =	sst s25  }
0xb5: {  	s5 =	sshll.u32 s26, $0x1;
	_ =	strace $0x80000049;
	[dreg:$0x1] =	wrdreg $0xFFFFFFFF  }
0xb6: {  	s28 =	simm.s32 $_size_execute0_lowered;
	s3 =	sadd.s32 s3, s5;
	[dreg:$0x0] =	wrdreg $0x0  }
0xb7: {  	s5 =	sshll.u32 s28, $0x1;
	[dreg:$0x2] =	wrdreg s3  }
0xb8: {  	[dreg:$0x3] =	wrdreg s5  }
0xb9: {  	[dreg:$0x4] =	wrdreg $0xC0  }
0xba: {  	_ =	task [dreg:s22], $0x5FFFF  }
0xbb: {  	[dreg:$0x1] =	wrdreg $0xFFFFFFFF  }
0xbc: {  	[dreg:$0x0] =	wrdreg $0x60  }
0xbd: {  	[dreg:$0x2] =	wrdreg s24  }
0xbe: {  	[dreg:$0x3] =	wrdreg $0xA  }
0xbf: {  	_ =	task.clear_ibuf [dreg:s22], $0x4FFFF;
	_ =	strace $0x90000049  }
0xc0: {  	s29 =	simm.s32 $0xA;
	_ =	strace $0x8000004B  }
0xc1: {  	_ =	swait.ge [sflag:s29], $0x1  }
0xc2: {  	[sflag:s29] =	ssyncadd.s32 $0xFFFFFFFF  }
0xc3: {  	_ =	strace $0x9000004B  }
0xc4: {  	_ =	sfence  }
0xc5: {  	s30 =	sld [smem:$0x0];
	_ =	sdelay $0x2  }
0xc6: {  	s31 =	sshll.u32 s1, $0xD;
	s1 =	sshrl.u32 s1, $0x2  }
0xc7: {  	s4 =	sand.u32 $0x4000, s31;
	s1 =	sadd.s32 s1, s30  }
0xc8: {  	s0 =	sor.u32 s4, s0;
	s1 =	sshll.u32 s1, $0x11  }
0xc9: {  	s0 =	sor.u32 s1, s0  }
0xca: {  	s0 =	sadd.s32 $0x8F2B, s0  }
0xcb: {  	[sflag:s0] =	ssyncadd.remote.s32 $0x1  }
0xcc: {  	_ =	sfence.sel $0xFFFF  }
0xcd: {  	[dreg:$0x0] =	wrdreg $0xFFFFFFFF;
	(pc) =	sbr.abs _section_cstart, $3  }
0xce: {  	[dreg:$0x1] =	wrdreg $0xFFFFFFFF  }
0xcf: {  	_ =	task.clear_ibuf [dreg:s22], $0x2FFFF;
	_ =	strace $0x9FFFFFFF  }
0xd0: {  	(tm) =	ssettm $0x7FFFFFFF  }
0xd1: {  	_ =	shalt  }
tec
execute0_lowered:
.L_overlay_start_1:
0x0: {  	(tag) =	ssettag $0x1  }
0x1: {  	s0 =	rddreg [dreg:$0x0];
	s1 =	simm.s32 $0x0  }
0x2: {  	s30 =	srdreg.scid;
	s6 =	stileid.u32;
	s9 =	simm.s32 $0x2  }
0x3: {  	s10 =	simm.s32 $0x8080;
	s16 =	simm.s32 $0x2880;
	s17 =	simm.s32 $0x3080  }
0x4: {  	s18 =	simm.s32 $0x3880;
	s19 =	simm.s32 $0x4080;
	s20 =	simm.s32 $0x4880  }
0x5: {  	s21 =	simm.s32 $0x5080;
	s22 =	simm.s32 $0x5880;
	s23 =	simm.s32 $0x1  }
0x6: {  	s24 =	simm.s32 $0x6080;
	[smem:$0x7FF] =	sst s1;
	s1 =	sand.u32 $0x1, s30  }
0x7: {  	s29 =	simm.s32 $0x0;
	s3 =	sadd.s32 $0x2800, s0;
	s2 =	ssub.s32 $0x2, s1  }
0x8: {  	s4 =	sadd.s32 $0x88800, s0;
	s5 =	sadd.s32 $0x8B800, s0;
	s7 =	sshrl.u32 s2, $0x1  }
0x9: {  	v2 =	vlaneseq.u32;
	s8 =	sshll.u32 s6, $0xB;
	s6 =	sadd.s32 $0x282800, s0;
	s31 =	ssub.s32 s2, s7  }
0xa: {  	vm0 =	vmmov $0xffff;
	v1 =	vshrl.u32 v2, $0x3;
	_ =	strace $0x8000004A;
	s1 =	sshll.u32 s1, $0xA;
	s0 =	smax.u32 s31, $0x1  }
0xb: {  	v0 =	vand.u32 $0x7, v2;
	v2 =	vor.u32 $0x8, v2;
	v1 =	vmul.u32 $0x8, v1;
	s7 =	sor.u32 s1, s8;
	s1 =	simm.s32 $0x0;
	[dreg:$0x2] =	wrdreg s0  }
.LBB2_1:
0xc: {  	[dreg:$0x3] =	wrdreg s1;
	s26 =	simm.s32 $0x0  }
.LBB2_2:
0xd: {  	s0 =	sshll.u32 s26, $0x5  }
0xe: {  	s28 =	sadd.s32 s7, s0  }
0xf: {  	s0 =	smul.u32 $0x3, s28;
	_ =	sdelay $0x1  }
0x10: {  	s0 =	sshrl.u32 s0, $0x3  }
0x11: {  	s1 =	sadd.s32 s4, s0  }
0x12: {  	[tilespmem:s29], [sflag:$0x2] =	stream.linear.gather [hbm4b:s1+s29], $0x60, $0x38;
	[tilespmem:$0x8100] =	vst v63  }
0x13: {  	_ =	swait.ge [sflag:s9], $0x60  }
0x14: {  	[sflag:s9] =	ssyncset.done $0x0  }
0x15: {  	s0 =	sadd.s32 s5, s0;
	[sflag:s9] =	ssyncadd.s32 $0xFFFFFFA0  }
0x16: {  	[tilespmem:s10], [sflag:$0x2] =	stream.linear.gather [hbm4b:s0+s29], $0x60, $0x38;
	[tilespmem:$0x8100] =	vst v63  }
0x17: {  	_ =	swait.ge [sflag:s9], $0x60  }
0x18: {  	[sflag:s9] =	ssyncset.done $0x0  }
0x19: {  	[sflag:s9] =	ssyncadd.s32 $0xFFFFFFA0  }
0x1a: {  	v3 =	vld [tilespmem:$0x0];
	_ =	sdelay $0x4  }
0x1b: {  	v4 =	vshll.u32 v3, $0x1  }
0x1c: {  	v3 =	vand.u32 $0x7, v3;
	v4 =	vand.u32 $0xFFFFFFF0, v4  }
0x1d: {  	v3 =	vor.u32 v3, v4  }
0x1e: {  	v4 =	vperm.xlane v3, v0;
	_ =	sdelay $0x1  }
0x1f: {  	v3 =	vperm.xlane v3, v2;
	v4 =	vadd.s32 v1, v4;
	_ =	sdelay $0x1  }
0x20: {  	v3 =	vadd.s32 v1, v3;
	_ =	sdelay $0x1  }
0x21: {  	s13 =	simm.s32 $0x80  }
0x22: {  	[tilespmem:s13], [sflag:$0x1] =	stream.indirect_vreg.gather [hbm4b:s3+s29], $0x80, v4, vm0, $0xb8;
	[tilespmem:$0x8100] =	vst v63  }
0x23: {  	s14 =	simm.s32 $0x880  }
0x24: {  	[tilespmem:s14], [sflag:$0x1] =	stream.indirect_vreg.gather [hbm4b:s3+s29], $0x80, v3, vm0, $0xb8;
	[tilespmem:$0x8100] =	vst v63  }
0x25: {  	v3 =	vld [tilespmem:$0x10];
	_ =	sdelay $0x4  }
0x26: {  	v59 =	vshll.u32 v3, $0x1  }
0x27: {  	v3 =	vand.u32 $0x7, v3;
	v4 =	vand.u32 $0xFFFFFFF0, v59  }
0x28: {  	v3 =	vor.u32 v3, v4  }
0x29: {  	v4 =	vperm.xlane v3, v0;
	_ =	sdelay $0x1  }
0x2a: {  	v3 =	vperm.xlane v3, v2;
	v4 =	vadd.s32 v1, v4;
	_ =	sdelay $0x1  }
0x2b: {  	v3 =	vadd.s32 v1, v3;
	_ =	sdelay $0x1  }
0x2c: {  	s15 =	simm.s32 $0x1080  }
0x2d: {  	[tilespmem:s15], [sflag:$0x1] =	stream.indirect_vreg.gather [hbm4b:s3+s29], $0x80, v4, vm0, $0xb8;
	[tilespmem:$0x8100] =	vst v63  }
0x2e: {  	s25 =	simm.s32 $0x1880  }
0x2f: {  	[tilespmem:s25], [sflag:$0x1] =	stream.indirect_vreg.gather [hbm4b:s3+s29], $0x80, v3, vm0, $0xb8;
	[tilespmem:$0x8100] =	vst v63  }
0x30: {  	v3 =	vld [tilespmem:$0x20];
	_ =	sdelay $0x4  }
0x31: {  	v60 =	vshll.u32 v3, $0x1  }
0x32: {  	v3 =	vand.u32 $0x7, v3;
	v4 =	vand.u32 $0xFFFFFFF0, v60  }
0x33: {  	v3 =	vor.u32 v3, v4  }
0x34: {  	v4 =	vperm.xlane v3, v0;
	_ =	sdelay $0x1  }
0x35: {  	v3 =	vperm.xlane v3, v2;
	v4 =	vadd.s32 v1, v4;
	_ =	sdelay $0x1  }
0x36: {  	v3 =	vadd.s32 v1, v3;
	_ =	sdelay $0x1  }
0x37: {  	s31 =	simm.s32 $0x2080  }
0x38: {  	[tilespmem:s31], [sflag:$0x1] =	stream.indirect_vreg.gather [hbm4b:s3+s29], $0x80, v4, vm0, $0xb8;
	[tilespmem:$0x8100] =	vst v63  }
0x39: {  	_ = 	snop  }
0x3a: {  	[tilespmem:s16], [sflag:$0x1] =	stream.indirect_vreg.gather [hbm4b:s3+s29], $0x80, v3, vm0, $0xb8;
	[tilespmem:$0x8100] =	vst v63  }
0x3b: {  	v3 =	vld [tilespmem:$0x30];
	_ =	sdelay $0x4  }
0x3c: {  	v61 =	vshll.u32 v3, $0x1  }
0x3d: {  	v3 =	vand.u32 $0x7, v3;
	v4 =	vand.u32 $0xFFFFFFF0, v61  }
0x3e: {  	v3 =	vor.u32 v3, v4  }
0x3f: {  	v4 =	vperm.xlane v3, v0;
	_ =	sdelay $0x1  }
0x40: {  	v3 =	vperm.xlane v3, v2;
	v4 =	vadd.s32 v1, v4;
	_ =	sdelay $0x1  }
0x41: {  	v3 =	vadd.s32 v1, v3;
	_ =	sdelay $0x2  }
0x42: {  	[tilespmem:s17], [sflag:$0x1] =	stream.indirect_vreg.gather [hbm4b:s3+s29], $0x80, v4, vm0, $0xb8;
	[tilespmem:$0x8100] =	vst v63  }
0x43: {  	_ = 	snop  }
0x44: {  	[tilespmem:s18], [sflag:$0x1] =	stream.indirect_vreg.gather [hbm4b:s3+s29], $0x80, v3, vm0, $0xb8;
	[tilespmem:$0x8100] =	vst v63  }
0x45: {  	v3 =	vld [tilespmem:$0x40];
	_ =	sdelay $0x4  }
0x46: {  	v62 =	vshll.u32 v3, $0x1  }
0x47: {  	v3 =	vand.u32 $0x7, v3;
	v4 =	vand.u32 $0xFFFFFFF0, v62  }
0x48: {  	v3 =	vor.u32 v3, v4  }
0x49: {  	v4 =	vperm.xlane v3, v0;
	_ =	sdelay $0x1  }
0x4a: {  	v3 =	vperm.xlane v3, v2;
	v4 =	vadd.s32 v1, v4;
	_ =	sdelay $0x1  }
0x4b: {  	v3 =	vadd.s32 v1, v3;
	_ =	sdelay $0x2  }
0x4c: {  	[tilespmem:s19], [sflag:$0x1] =	stream.indirect_vreg.gather [hbm4b:s3+s29], $0x80, v4, vm0, $0xb8;
	[tilespmem:$0x8100] =	vst v63  }
0x4d: {  	_ = 	snop  }
0x4e: {  	[tilespmem:s20], [sflag:$0x1] =	stream.indirect_vreg.gather [hbm4b:s3+s29], $0x80, v3, vm0, $0xb8;
	[tilespmem:$0x8100] =	vst v63  }
0x4f: {  	v3 =	vld [tilespmem:$0x50];
	_ =	sdelay $0x4  }
0x50: {  	v63 =	vshll.u32 v3, $0x1  }
0x51: {  	v3 =	vand.u32 $0x7, v3;
	v4 =	vand.u32 $0xFFFFFFF0, v63  }
0x52: {  	v3 =	vor.u32 v3, v4  }
0x53: {  	v4 =	vperm.xlane v3, v0;
	_ =	sdelay $0x1  }
0x54: {  	v3 =	vperm.xlane v3, v2;
	v4 =	vadd.s32 v1, v4;
	_ =	sdelay $0x1  }
0x55: {  	v3 =	vadd.s32 v1, v3;
	_ =	sdelay $0x2  }
0x56: {  	[tilespmem:s21], [sflag:$0x1] =	stream.indirect_vreg.gather [hbm4b:s3+s29], $0x80, v4, vm0, $0xb8;
	[tilespmem:$0x8100] =	vst v63  }
0x57: {  	_ = 	snop  }
0x58: {  	[tilespmem:s22], [sflag:$0x1] =	stream.indirect_vreg.gather [hbm4b:s3+s29], $0x80, v3, vm0, $0xb8;
	[tilespmem:$0x8100] =	vst v63  }
0x59: {  	_ =	swait.ge [sflag:s23], $0x6000  }
0x5a: {  	[sflag:s23] =	ssyncset.done $0x0  }
0x5b: {  	s30 =	simm.s32 $0x0;
	[sflag:s23] =	ssyncadd.s32 $0xFFFFA000  }
.LBB2_3:
0x5c: {  	s0 =	smul.u32 $0x3, s30  }
0x5d: {  	s1 =	smul.u32 $0x300, s30  }
0x5e: {  	s8 =	smul.u32 $0x180, s30  }
0x5f: {  	s2 =	sadd.s32 $0x1, s0  }
0x60: {  	v3 =	vmov s0;
	s1 =	sand.u32 $0x7800, s1;
	s13 =	sand.u32 $0x380, s8;
	s25 =	sadd.s32 $0x2, s0  }
0x61: {  	s11 =	sshll.u32 s2, $0x8;
	s12 =	sshll.u32 s2, $0x7;
	v4 =	vmov s2;
	s2 =	sor.u32 s13, s1  }
0x62: {  	s13 =	sshll.u32 s25, $0x8;
	s14 =	sand.u32 $0xF800, s11;
	s15 =	sand.u32 $0x380, s12  }
0x63: {  	s0 =	sadd.s32 $0x80, s2;
	s1 =	sand.u32 $0xF800, s13;
	s12 =	sand.u32 $0x400, s29  }
0x64: {  	v5 =	vmov s25;
	s11 =	sor.u32 s15, s14;
	s14 =	sshll.u32 s25, $0x7;
	s15 =	sadd.s32 s12, s0  }
0x65: {  	s31 =	sadd.s32 $0x80, s11;
	s2 =	sand.u32 $0x380, s14;
	s14 =	sand.u32 $0x70, s29;
	v3 =	vld.idx.msk [tilespmem:v3+s10+$0x0], $0xffff  }
0x66: {  	s1 =	sor.u32 s2, s1;
	s8 =	sadd.s32 s14, s15;
	s25 =	sadd.s32 s12, s31;
	v4 =	vld.idx.msk [tilespmem:v4+s10+$0x0], $0xffff  }
0x67: {  	s2 =	sadd.s32 $0x80, s1;
	v6 =	vld [tilespmem:s8+$0x0];
	s8 =	sadd.s32 s14, s25  }
0x68: {  	v7 =	vld [tilespmem:s8+$0x0];
	s11 =	sadd.s32 s12, s2  }
0x69: {  	v5 =	vld.idx.msk [tilespmem:v5+s10+$0x0], $0xffff;
	s1 =	sadd.s32 s14, s11  }
0x6a: {  	v8 =	vld [tilespmem:s1+$0x0];
	_ =	sdelay $0x2  }
0x6b: {  	s13 =	sshll.u32 s30, $0x8;
	s15 =	sshll.u32 s30, $0x7;
	v6 =	vmul.f32 v6, v3;
	v7 =	vmul.f32 v7, v4  }
0x6c: {  	s8 =	sand.u32 $0x380, s15;
	s1 =	sand.u32 $0x1800, s13  }
0x6d: {  	s1 =	sor.u32 s8, s1;
	v6 =	vadd.f32 v7, v6;
	v7 =	vmul.f32 v8, v5  }
0x6e: {  	s25 =	simm.s32 $0x10;
	s8 =	sadd.s32 $0x6080, s1;
	s1 =	simm.s32 $0x80  }
0x6f: {  	s11 =	sand.u32 $0x70, s25;
	s25 =	sand.u32 $0x400, s1;
	s15 =	sadd.s32 s12, s8;
	v6 =	vadd.f32 v7, v6  }
0x70: {  	s12 =	simm.s32 $0x20;
	s13 =	sadd.s32 s25, s0;
	s14 =	sadd.s32 s14, s15  }
.LBB2_4:
0x71: {  	p0 =	sne.s32 s12, $0xF0;
	s13 =	sadd.s32 s11, s13;
	s15 =	sadd.s32 s25, s31;
	[tilespmem:s14+$0x0] =	vst v6  }
0x72: {  	s14 =	smov.u32 s11;
	v6 =	vld [tilespmem:s13+$0x0];
	s13 =	sadd.s32 s11, s15  }
0x73: {  	s11 =	sadd.s32 s25, s2;
	v7 =	vld [tilespmem:s13+$0x0]  }
0x74: {  	s11 =	sadd.s32 s14, s11  }
0x75: {  	v8 =	vld [tilespmem:s11+$0x0];
	_ =	sdelay $0x2  }
0x76: {  	v6 =	vmul.f32 v6, v3;
	v7 =	vmul.f32 v7, v4  }
.Ltmp0:
0x77: {  	(pc) =	sbr.rel @p0 .LBB2_4-.Ltmp0, $4  }
0x78: {  	v6 =	vadd.f32 v7, v6;
	v7 =	vmul.f32 v8, v5  }
0x79: {  	s1 =	sadd.s32 $0x80, s1  }
0x7a: {  	s15 =	sadd.s32 s25, s8;
	s25 =	sand.u32 $0x400, s1;
	s11 =	sand.u32 $0x70, s12;
	v6 =	vadd.f32 v7, v6  }
0x7b: {  	s13 =	sadd.s32 s25, s0;
	s14 =	sadd.s32 s14, s15;
	s12 =	sadd.s32 $0x10, s12  }
0x7c: {  	s0 =	sadd.s32 s11, s13;
	s1 =	sadd.s32 s25, s31;
	[tilespmem:s14+$0x0] =	vst v6  }
0x7d: {  	v6 =	vld [tilespmem:s0+$0x0];
	s14 =	sadd.s32 s11, s1  }
0x7e: {  	s15 =	sadd.s32 s25, s2;
	v7 =	vld [tilespmem:s14+$0x0]  }
0x7f: {  	s0 =	sadd.s32 s11, s15  }
0x80: {  	v8 =	vld [tilespmem:s0+$0x0];
	_ =	sdelay $0x2  }
0x81: {  	s30 =	sadd.s32 $0x1, s30;
	v3 =	vmul.f32 v6, v3;
	v4 =	vmul.f32 v7, v4  }
0x82: {  	p0 =	sne.s32 s30, $0x20  }
.Ltmp1:
0x83: {  	v63 =	vmul.f32 v8, v5;
	v3 =	vadd.f32 v4, v3;
	(pc) =	sbr.rel @p0 .LBB2_3-.Ltmp1, $4  }
0x84: {  	_ = 	snop  }
0x85: {  	s31 =	sadd.s32 s25, s8;
	v3 =	vadd.f32 v63, v3  }
0x86: {  	s0 =	sadd.s32 s11, s31  }
0x87: {  	[tilespmem:s0+$0x0] =	vst v3  }
0x88: {  	s26 =	sadd.s32 $0x1, s26  }
0x89: {  	s0 =	sshll.u32 s28, $0x5;
	p0 =	sne.s32 s26, $0x20  }
.Ltmp2:
0x8a: {  	s1 =	simm.s32 $0x0;
	s0 =	sadd.s32 s6, s0;
	(pc) =	sbr.rel @p0 .LBB2_2-.Ltmp2, $4  }
0x8b: {  	[hbm4b:s0+s1] =	stream.linear.scatter [tilespmem:s24], [sflag:$0x2], $0x2000, $0x38;
	[tilespmem:$0x8100] =	vst v63  }
0x8c: {  	_ =	swait.ge [sflag:s9], $0x2000  }
0x8d: {  	[sflag:s9] =	ssyncset.done $0x0  }
0x8e: {  	[sflag:s9] =	ssyncadd.s32 $0xFFFFE000  }
0x8f: {  	s1 =	rddreg [dreg:$0x3]  }
0x90: {  	s0 =	rddreg [dreg:$0x2];
	s1 =	sadd.s32 $0x1, s1  }
0x91: {  	p0 =	sne.s32 s1, s0  }
.Ltmp3:
0x92: {  	_ = 	snop;
	(pc) =	sbr.rel @p0 .LBB2_1-.Ltmp3, $1  }
0x93: {  	_ =	sdelay $0x3  }
0x94: {  	_ =	sfence.sel $0x180000  }
0x95: {  	[bflag:$0x0] =	sbarrier.arrive $0xFFFF  }
0x96: {  	_ =	strace $0x9000004A  }
0x97: {  	s0 =	stileid.u32;
	[bflag:$0x2] =	sbarrier.arrive $0xFFFF  }
0x98: {  	p0 =	sne.s32 s0, $0x0;
	s0 =	rddreg [dreg:$0x1]  }
0x99: {  	s0 =	sadd.s32 @!p0 $0x100000, s0  }
0x9a: {  	[sflag:s0] =	ssyncadd.tile.s32 @!p0 $0x1;
	_ =	shalt  }
.Lfunc_end2:
_tile_overlayer_lowered:
.L_overlay_start_2:
0x9b: {  	(tag) =	ssettag $0x2  }
0x9c: {  	s0 =	rddreg [dreg:$0x0];
	s2 =	stileid.u32  }
0x9d: {  	s1 =	rddreg [dreg:$0x1];
	p0 =	sne.s32 s2, $0x0  }
0x9e: {  	s3 =	rddreg [dreg:$0x2];
	[bflag:$0x3] =	sbarrier.arrive $0xFFFF;
	s2 =	simm.s32 @!p0 $0x1C02  }
0x9f: {  	[timem:s3], [sflag:s2] =	dma.local @!p0 [hbm:s0], s1  }
0xa0: {  	s0 =	simm.s32 @!p0 $0x2  }
0xa1: {  	_ =	swait.ge @!p0 [sflag:s0], s1  }
0xa2: {  	s1 =	ssub.s32 @!p0 $0x0, s1;
	[sflag:s0] =	ssyncset.done @!p0 $0x0  }
0xa3: {  	[sflag:s0] =	ssyncadd.s32 @!p0 s1  }
0xa4: {  	[bflag:$0x3] =	sbarrier.arrive $0xFFFF  }
0xa5: {  	_ =	shalt  }

</sc_bundles>
